<compile_context>
chip_gen: v7x
topology: tpu7x:2x2x1
jax: 0.10.2.dev20260603
libtpu: 0.0.44.dev20260713+nightly
codegen_flags: <defaults>
</compile_context>

<pallas_src>
import functools

import jax
import jax.numpy as jnp
from jax import lax
from jax.experimental import pallas as pl
from jax.experimental.pallas import tpu as pltpu
from jax.experimental.pallas import tpu_sc as plsc

S, D, H, DK, E, DH = 2048, 768, 12, 64, 64, 768
TOPK = 2
T = S
R = 128
NB = 96
NP = NB * R
BS = 256
BQ = 512
NEG = -1e30



def _qkv_body(x_ref, pb_ref, wq_ref, wk_ref, wv_ref, q_ref, k_ref, v_ref):
    xb = x_ref[0]
    m = jnp.mean(xb, axis=1, keepdims=True)
    xc = xb - m
    var = jnp.mean(xc * xc, axis=1, keepdims=True)
    y = (xc * lax.rsqrt(var + 1e-5) * pb_ref[0:1]
         + pb_ref[1:2]).astype(jnp.bfloat16)
    q = jnp.dot(y, wq_ref[...].astype(jnp.bfloat16),
                preferred_element_type=jnp.float32) + pb_ref[2:3]
    q_ref[...] = q * (DK ** -0.5)
    k_ref[...] = jnp.dot(y, wk_ref[...].astype(jnp.bfloat16),
                         preferred_element_type=jnp.float32) + pb_ref[3:4]
    v_ref[...] = jnp.dot(y, wv_ref[...].astype(jnp.bfloat16),
                         preferred_element_type=jnp.float32) + pb_ref[4:5]


def _attn_body(q_ref, k_ref, v_ref, o_ref):
    qq, kk, vv = q_ref[...], k_ref[...], v_ref[...]
    for hh in (0, 1):
        sl = slice(hh * DK, (hh + 1) * DK)
        s = lax.dot_general(qq[:, sl], kk[:, sl], (((1,), (1,)), ((), ())),
                            preferred_element_type=jnp.float32)
        e = jnp.exp(s)
        denom = jnp.sum(e, axis=1, keepdims=True)
        o = jnp.dot(e, vv[:, sl], preferred_element_type=jnp.float32)
        o_ref[:, sl] = o / denom


def _post_route_body(o_ref, x_ref, wo_ref, pb_ref, wg_ref, bg_ref,
                     x1_ref, z_ref, gate_ref, pos_ref, ebo_ref, rbo_ref,
                     nbo_ref, ti_s, cnt_ref, base_ref, run_ref):
    ph = pl.program_id(0)
    i = pl.program_id(1)

    @pl.when(ph == 0)
    def _():
        x1 = x_ref[0] + pb_ref[0:1] + jnp.dot(
            o_ref[...], wo_ref[...], preferred_element_type=jnp.float32)
        x1_ref[...] = x1
        m = jnp.mean(x1, axis=1, keepdims=True)
        xc = x1 - m
        var = jnp.mean(xc * xc, axis=1, keepdims=True)
        z = xc * lax.rsqrt(var + 1e-5) * pb_ref[1:2] + pb_ref[2:3]
        z_ref[...] = z
        lg = jnp.dot(z, wg_ref[...],
                     preferred_element_type=jnp.float32) + bg_ref[...]
        col = lax.broadcasted_iota(jnp.int32, lg.shape, 1)
        m1 = jnp.max(lg, axis=1, keepdims=True)
        i1 = jnp.min(jnp.where(lg == m1, col, E), axis=1, keepdims=True)
        lg2 = jnp.where(col == i1, NEG, lg)
        m2 = jnp.max(lg2, axis=1, keepdims=True)
        i2 = jnp.min(jnp.where(lg2 == m2, col, E), axis=1, keepdims=True)
        a = jnp.exp(m2 - m1)
        g1 = 1.0 / (1.0 + a)
        gate_ref[...] = jnp.concatenate([g1, 1.0 - g1], axis=1)
        ti = jnp.concatenate([i1, i2], axis=1)
        ti_s[pl.ds(i * BS, BS), :] = ti
        ohs = ((lax.broadcasted_iota(jnp.int32, (BS, E), 1) == i1)
               | (lax.broadcasted_iota(jnp.int32, (BS, E), 1) == i2)
               ).astype(jnp.float32)

        @pl.when(i == 0)
        def _():
            cnt_ref[...] = jnp.zeros((1, E), jnp.float32)

        cnt_ref[...] += jnp.sum(ohs, axis=0, keepdims=True)

    @pl.when((ph == 1) & (i == 0))
    def _():
        counts = cnt_ref[...]
        nblk = jnp.floor((counts + (R - 1)) * (1.0 / R))
        rr = lax.broadcasted_iota(jnp.int32, (E, E), 0)
        cc = lax.broadcasted_iota(jnp.int32, (E, E), 1)
        uppr = (rr < cc).astype(jnp.float32)
        bstart = jnp.dot(nblk, uppr, preferred_element_type=jnp.float32)
        base_ref[...] = bstart * R
        run_ref[...] = jnp.zeros((1, E), jnp.float32)
        nbused = jnp.sum(nblk, axis=1, keepdims=True)
        nbo_ref[...] = nbused.astype(jnp.int32)
        brow = lax.broadcasted_iota(jnp.int32, (NB, E), 0).astype(jnp.float32)
        erow = lax.broadcasted_iota(jnp.int32, (NB, E), 1).astype(jnp.float32)
        mask = (bstart <= brow) & (counts > 0.0)
        val = jnp.where(mask, erow + 1.0, 0.0)
        ebo_ref[...] = jnp.maximum(
            jnp.max(val, axis=1, keepdims=True) - 1.0, 0.0).astype(jnp.int32)
        bio = lax.broadcasted_iota(jnp.int32, (NB, 1), 0)
        rbo_ref[...] = jnp.minimum(bio, nbused.astype(jnp.int32) - 1)

    @pl.when(ph == 1)
    def _():
        ti = ti_s[pl.ds(i * BS, BS), :]
        e0 = ti[:, 0:1]
        e1 = ti[:, 1:2]
        ecols = lax.broadcasted_iota(jnp.int32, (BS, E), 1)
        oh0 = (ecols == e0).astype(jnp.float32)
        oh1 = (ecols == e1).astype(jnp.float32)
        ohs = oh0 + oh1
        rr2 = lax.broadcasted_iota(jnp.int32, (BS, BS), 0)
        cc2 = lax.broadcasted_iota(jnp.int32, (BS, BS), 1)
        tri = (cc2 <= rr2).astype(jnp.float32)
        csum_incl = jnp.dot(tri, ohs, preferred_element_type=jnp.float32)
        posmat = base_ref[...] + run_ref[...] + csum_incl - ohs
        pos0 = jnp.sum(oh0 * posmat, axis=1, keepdims=True)
        pos1 = jnp.sum(oh1 * posmat, axis=1, keepdims=True)
        pos_ref[...] = jnp.concatenate([pos0, pos1], axis=1).astype(jnp.int32)
        run_ref[...] += jnp.sum(ohs, axis=0, keepdims=True)


def _ffn_body(pf_ref, zg_ref, w1_ref, b1_ref, w2_ref, b2_ref, y_ref):
    b = pl.program_id(0)

    @pl.when(b < pf_ref[2 * NB])
    def _():
        h = jnp.dot(zg_ref[...].astype(jnp.bfloat16),
                    w1_ref[0].astype(jnp.bfloat16),
                    preferred_element_type=jnp.float32)
        h = jnp.maximum(h + b1_ref[0], 0.0)
        y_ref[...] = jnp.dot(h.astype(jnp.bfloat16),
                             w2_ref[0].astype(jnp.bfloat16),
                             preferred_element_type=jnp.float32) + b2_ref[0]


def _combine_body(x1_ref, ya_ref, yb_ref, g_ref, o_ref):
    g = g_ref[...]
    o_ref[0] = (x1_ref[...] + ya_ref[...] * g[:, 0:1]
                + yb_ref[...] * g[:, 1:2])



def _gather_rows(table, idx, chunk=64):
    n = idx.shape[0]
    d = table.shape[1]
    nw = 32
    per_w = n // nw
    nch = per_w // chunk
    mesh = plsc.VectorSubcoreMesh(core_axis_name="c", subcore_axis_name="s")

    @functools.partial(
        pl.kernel,
        mesh=mesh,
        out_type=jax.ShapeDtypeStruct((n, d), table.dtype),
        scratch_types=[
            pltpu.VMEM((chunk,), jnp.int32),
            pltpu.VMEM((chunk, d), table.dtype),
            pltpu.SemaphoreType.DMA,
        ],
    )
    def kern(tab_hbm, idx_hbm, out_hbm, idx_v, rows_v, sem):
        wid = lax.axis_index("s") * 2 + lax.axis_index("c")
        base = wid * per_w

        @pl.loop(0, nch)
        def _(ci):
            off = base + ci * chunk
            pltpu.sync_copy(idx_hbm.at[pl.ds(off, chunk)], idx_v)
            pltpu.async_copy(tab_hbm.at[idx_v], rows_v, sem).wait()
            pltpu.sync_copy(rows_v, out_hbm.at[pl.ds(off, chunk)])

    return kern(table, idx)


def _dispatch_rows(z, pc, chunk=64):
    n = pc.shape[0]
    nw = 32
    per_w = n // nw
    mesh = plsc.VectorSubcoreMesh(core_axis_name="c", subcore_axis_name="s")

    @functools.partial(
        pl.kernel,
        mesh=mesh,
        out_type=jax.ShapeDtypeStruct((NP, D), z.dtype),
        scratch_types=[
            pltpu.VMEM((chunk,), jnp.int32),
            pltpu.VMEM((chunk, D), z.dtype),
            pltpu.SemaphoreType.DMA,
        ],
    )
    def kern(z_hbm, pc_hbm, zg_hbm, idx_v, rows_v, sem):
        wid = lax.axis_index("s") * 2 + lax.axis_index("c")
        base = wid * per_w
        tbase = lax.rem(wid, nw // TOPK) * per_w

        @pl.loop(0, per_w // chunk)
        def _(ci):
            pltpu.sync_copy(pc_hbm.at[pl.ds(base + ci * chunk, chunk)], idx_v)
            pltpu.sync_copy(z_hbm.at[pl.ds(tbase + ci * chunk, chunk)], rows_v)
            pltpu.async_copy(rows_v, zg_hbm.at[idx_v], sem).wait()

    return kern(z, pc)



def kernel(x, ln1_g, ln1_b, Wq, bq, Wk, bk, Wv, bv, Wo, bo,
           ln2_g, ln2_b, Wg, bg, W1, be1, W2, be2):
    f32 = jnp.float32
    pb1 = jnp.concatenate([ln1_g, ln1_b, bq, bk, bv]).reshape(5, D)
    pb3 = jnp.concatenate([bo, ln2_g, ln2_b]).reshape(3, D)

    q, k, v = pl.pallas_call(
        _qkv_body,
        grid=(S // BS,),
        in_specs=[
            pl.BlockSpec((1, BS, D), lambda i: (0, i, 0)),
            pl.BlockSpec((5, D), lambda i: (0, 0)),
            pl.BlockSpec((D, D), lambda i: (0, 0)),
            pl.BlockSpec((D, D), lambda i: (0, 0)),
            pl.BlockSpec((D, D), lambda i: (0, 0)),
        ],
        out_specs=[pl.BlockSpec((BS, D), lambda i: (i, 0))] * 3,
        out_shape=[jax.ShapeDtypeStruct((S, D), f32)] * 3,
    )(x, pb1, Wq, Wk, Wv)

    o = pl.pallas_call(
        _attn_body,
        grid=(H // 2, S // BQ),
        in_specs=[
            pl.BlockSpec((BQ, 2 * DK), lambda h, i: (i, h)),
            pl.BlockSpec((S, 2 * DK), lambda h, i: (0, h)),
            pl.BlockSpec((S, 2 * DK), lambda h, i: (0, h)),
        ],
        out_specs=pl.BlockSpec((BQ, 2 * DK), lambda h, i: (i, h)),
        out_shape=jax.ShapeDtypeStruct((S, D), f32),
    )(q, k, v)

    nlast = S // BS - 1
    tok_ix = lambda ph, i: (jnp.where(ph == 0, i, nlast), 0)
    tok_ix3 = lambda ph, i: (0, jnp.where(ph == 0, i, nlast), 0)
    full_ix = lambda ph, i: (0, 0)
    x1, z, gates, pos, ebo, rbo, nbo = pl.pallas_call(
        _post_route_body,
        grid=(2, S // BS),
        in_specs=[
            pl.BlockSpec((BS, D), tok_ix),
            pl.BlockSpec((1, BS, D), tok_ix3),
            pl.BlockSpec((D, D), full_ix),
            pl.BlockSpec((3, D), full_ix),
            pl.BlockSpec((D, E), full_ix),
            pl.BlockSpec((1, E), full_ix),
        ],
        out_specs=[
            pl.BlockSpec((BS, D), tok_ix),
            pl.BlockSpec((BS, D), tok_ix),
            pl.BlockSpec((BS, TOPK), tok_ix),
            pl.BlockSpec((BS, TOPK), lambda ph, i: (i, 0)),
            pl.BlockSpec((NB, 1), full_ix),
            pl.BlockSpec((NB, 1), full_ix),
            pl.BlockSpec((1, 1), full_ix),
        ],
        out_shape=[
            jax.ShapeDtypeStruct((S, D), f32),
            jax.ShapeDtypeStruct((S, D), f32),
            jax.ShapeDtypeStruct((S, TOPK), f32),
            jax.ShapeDtypeStruct((S, TOPK), jnp.int32),
            jax.ShapeDtypeStruct((NB, 1), jnp.int32),
            jax.ShapeDtypeStruct((NB, 1), jnp.int32),
            jax.ShapeDtypeStruct((1, 1), jnp.int32),
        ],
        scratch_shapes=[
            pltpu.VMEM((S, TOPK), jnp.int32),
            pltpu.VMEM((1, E), f32),
            pltpu.VMEM((1, E), f32),
            pltpu.VMEM((1, E), f32),
        ],
    )(o, x, Wo, pb3, Wg, bg.reshape(1, E))
    pf = jnp.concatenate(
        [ebo.reshape(NB), rbo.reshape(NB), nbo.reshape(1)])
    pc = jnp.concatenate([pos[:, 0], pos[:, 1]])

    zg = _dispatch_rows(z, pc)

    grid_spec = pltpu.PrefetchScalarGridSpec(
        num_scalar_prefetch=1,
        grid=(NB,),
        in_specs=[
            pl.BlockSpec((R, D), lambda b, pf_r: (pf_r[NB + b], 0)),
            pl.BlockSpec((1, D, DH), lambda b, pf_r: (pf_r[b], 0, 0)),
            pl.BlockSpec((1, 1, DH), lambda b, pf_r: (pf_r[b], 0, 0)),
            pl.BlockSpec((1, DH, D), lambda b, pf_r: (pf_r[b], 0, 0)),
            pl.BlockSpec((1, 1, D), lambda b, pf_r: (pf_r[b], 0, 0)),
        ],
        out_specs=pl.BlockSpec((R, D), lambda b, pf_r: (pf_r[NB + b], 0)),
    )
    y_rows = pl.pallas_call(
        _ffn_body,
        grid_spec=grid_spec,
        out_shape=jax.ShapeDtypeStruct((NP, D), f32),
    )(pf, zg, W1, be1.reshape(E, 1, DH), W2, be2.reshape(E, 1, D))

    yp = _gather_rows(y_rows, pc, 64)

    out = pl.pallas_call(
        _combine_body,
        grid=(S // BS,),
        in_specs=[
            pl.BlockSpec((BS, D), lambda i: (i, 0)),
            pl.BlockSpec((BS, D), lambda i: (i, 0)),
            pl.BlockSpec((BS, D), lambda i: (i + T // BS, 0)),
            pl.BlockSpec((BS, TOPK), lambda i: (i, 0)),
        ],
        out_specs=pl.BlockSpec((1, BS, D), lambda i: (0, i, 0)),
        out_shape=jax.ShapeDtypeStruct((1, S, D), f32),
    )(x1, yp, yp, gates)

    return out

# --- scband reference (transcript-rebuilt; emitter-appended) ---
"""Pipeline reference for scband-encoder-layer-14628658610677 (READ-ONLY COPY).

The authoritative reference and input builder live on the scoring server;
editing this copy changes nothing except your own understanding.
"""

import jax, jax.numpy as jnp
import numpy as np

B, S, D, H, DK, E, DH = 1, 2048, 768, 12, 64, 64, 768
TOPK = 2

def layer_norm(x, g, b):
    m = jnp.mean(x, axis=-1, keepdims=True)
    v = jnp.var(x, axis=-1, keepdims=True)
    return (x - m) / jnp.sqrt(v + 1e-5) * g + b

def setup_inputs(seed: int = 0):
    key = jax.random.key(seed)
    ks = jax.random.split(key, 16)
    def w(k, shape, s=0.02):
        return jax.random.normal(k, shape, dtype=jnp.float32) * s
    return {
        'x': jax.random.normal(ks[0], (B, S, D), dtype=jnp.float32),
        'ln1_g': jnp.ones((D,), dtype=jnp.float32),
        'ln1_b': jnp.zeros((D,), dtype=jnp.float32),
        'Wq': w(ks[1], (D, D)), 'bq': jnp.zeros((D,), dtype=jnp.float32),
        'Wk': w(ks[2], (D, D)), 'bk': jnp.zeros((D,), dtype=jnp.float32),
        'Wv': w(ks[3], (D, D)), 'bv': jnp.zeros((D,), dtype=jnp.float32),
        'Wo': w(ks[4], (D, D)), 'bo': jnp.zeros((D,), dtype=jnp.float32),
        'ln2_g': jnp.ones((D,), dtype=jnp.float32),
        'ln2_b': jnp.zeros((D,), dtype=jnp.float32),
        'Wg': w(ks[5], (D, E)), 'bg': jnp.zeros((E,), dtype=jnp.float32),
        'W1': w(ks[6], (E, D, DH)), 'be1': jnp.zeros((E, DH), dtype=jnp.float32),
        'W2': w(ks[7], (E, DH, D)), 'be2': jnp.zeros((E, D), dtype=jnp.float32),
    }

def reference(x, ln1_g, ln1_b, Wq, bq, Wk, bk, Wv, bv, Wo, bo, ln2_g, ln2_b, Wg, bg, W1, be1, W2, be2):
    # --- self-attention (pre-LN of EncoderLayer), dropout = identity (eval) ---
    y = layer_norm(x, ln1_g, ln1_b)
    q = (y @ Wq + bq).reshape(B, S, H, DK)
    k = (y @ Wk + bk).reshape(B, S, H, DK)
    v = (y @ Wv + bv).reshape(B, S, H, DK)
    q = jnp.transpose(q, (0, 2, 1, 3)) * (DK ** -0.5)
    k = jnp.transpose(k, (0, 2, 1, 3))
    v = jnp.transpose(v, (0, 2, 1, 3))
    scores = jnp.matmul(q, jnp.swapaxes(k, -1, -2))
    a = jax.nn.softmax(scores, axis=-1)
    o = jnp.matmul(a, v)
    o = jnp.transpose(o, (0, 2, 1, 3)).reshape(B, S, D)
    attn_out = o @ Wo + bo
    x1 = x + attn_out
    # --- CustomizedMoEPositionwiseFF with pre_lnorm=True ---
    z = layer_norm(x1, ln2_g, ln2_b)
    zf = z.reshape(-1, D)
    T = zf.shape[0]
    # NaiveGate: top-k over gate logits, softmax over top-k values
    logits = zf @ Wg + bg
    topv, topi = jax.lax.top_k(logits, TOPK)
    gsc = jax.nn.softmax(topv, axis=-1)
    cw = jnp.zeros((T, E), dtype=zf.dtype).at[jnp.arange(T)[:, None], topi].add(gsc)
    def body(acc, ws):
        W1e, b1e, W2e, b2e, we = ws
        h = jax.nn.relu(zf @ W1e + b1e)  # activation = ReLU + Dropout(eval)
        return acc + we[:, None] * (h @ W2e + b2e), None
    moe_out, _ = jax.lax.scan(body, jnp.zeros_like(zf), (W1, be1, W2, be2, jnp.transpose(cw)))
    out = moe_out.reshape(B, S, D) + x1  # residual (pre_lnorm branch)
    return out

if __name__ == "__main__":
    import jax
    _d = setup_inputs()
    print(jax.jit(kernel)(*tuple(_d.values())))

</pallas_src>

<mosaic_0001>
#map = affine_map<(d0, d1) -> (0, 0)>
#map1 = affine_map<(d0, d1) -> (0)>
module attributes {stable_mosaic.version = 14 : i64} {
  func.func @kern(%arg0: i32, %arg1: i32, %arg2: memref<2048x768xf32, #tpu.memory_space<hbm>>, %arg3: memref<4096xi32, #tpu.memory_space<hbm>>, %arg4: memref<12288x768xf32, #tpu.memory_space<hbm>>, %arg5: memref<64xi32, #tpu.memory_space<vmem>>, %arg6: memref<64x768xf32, #tpu.memory_space<vmem>>, %arg7: memref<!tpu.dma_semaphore, #tpu.memory_space<semaphore_mem>>) attributes {dimension_semantics = [#tpu.dimension_semantics<core_parallel>, #tpu.dimension_semantics<subcore_parallel>], iteration_bounds = array<i64: 2, 16>, scalar_prefetch = 0 : i64, scratch_operands = 3 : i64, tpu.core_type = #tpu.core_type<sc_vector_subcore>, window_params = [{transform_indices = #map}, {transform_indices = #map1}, {transform_indices = #map}]} {
    %mul3A = arith.constant 2 : i32
    %mul3A_0 = arith.muli %arg1, %mul3A : i32
    %add3A = arith.addi %mul3A_0, %arg0 : i32
    %mul3A_1 = arith.constant 128 : i32
    %mul3A_2 = arith.muli %add3A, %mul3A_1 : i32
    %rem3A = arith.constant 16 : i32
    %rem3A_3 = arith.remsi %add3A, %rem3A : i32
    %mul3A_4 = arith.constant 128 : i32
    %mul3A_5 = arith.muli %rem3A_3, %mul3A_4 : i32
    %scan3A = arith.constant 0 : i32
    %scan3A_6 = arith.constant 2 : i32
    %scan3A_7 = arith.addi %scan3A, %scan3A_6 : i32
    %scan3A_8 = arith.constant 1 : i32
    scf.for %scan3A_10 = %scan3A to %scan3A_7 step %scan3A_8  : i32 {
      %mul3A_11 = arith.constant 1 : i32
      %mul3A_12 = arith.muli %scan3A_10, %mul3A_11 : i32
      %add3A_13 = arith.constant 0 : i32
      %add3A_14 = arith.addi %add3A_13, %mul3A_12 : i32
      %mul3A_15 = arith.constant 64 : i32
      %mul3A_16 = arith.muli %add3A_14, %mul3A_15 : i32
      %add3A_17 = arith.addi %mul3A_2, %mul3A_16 : i32
      "tpu.region"() ({
        %run_scoped3A = tpu.sem_alloc : memref<!tpu.dma_semaphore, #tpu.memory_space<semaphore_mem>>
        %dma_start3A_25 = tpu.memref_slice %arg3[%add3A_17] : memref<4096xi32, #tpu.memory_space<hbm>> -> memref<64xi32, #tpu.memory_space<hbm>>
        %dma_start3A_26 = tpu.memref_slice %arg3[%add3A_17] : memref<4096xi32, #tpu.memory_space<hbm>> -> memref<64xi32, #tpu.memory_space<hbm>>
        tpu.enqueue_dma source(%dma_start3A_26 : memref<64xi32, #tpu.memory_space<hbm>>) target(%arg5 : memref<64xi32, #tpu.memory_space<vmem>>) target_semaphore(%run_scoped3A : memref<!tpu.dma_semaphore, #tpu.memory_space<semaphore_mem>>)
        %dma_wait3A_27 = tpu.memref_slice %arg3[%add3A_17] : memref<4096xi32, #tpu.memory_space<hbm>> -> memref<64xi32, #tpu.memory_space<hbm>>
        %dma_wait3A_28 = tpu.memref_slice %arg3[%add3A_17] : memref<4096xi32, #tpu.memory_space<hbm>> -> memref<64xi32, #tpu.memory_space<hbm>>
        tpu.wait_dma2 semaphore(%run_scoped3A : memref<!tpu.dma_semaphore, #tpu.memory_space<semaphore_mem>>) src(%dma_wait3A_28 : memref<64xi32, #tpu.memory_space<hbm>>) dst(%arg5 : memref<64xi32, #tpu.memory_space<vmem>>)
        tpu.yield
      }) : () -> ()
      %mul3A_18 = arith.constant 64 : i32
      %mul3A_19 = arith.muli %add3A_14, %mul3A_18 : i32
      %add3A_20 = arith.addi %mul3A_5, %mul3A_19 : i32
      "tpu.region"() ({
        %run_scoped3A = tpu.sem_alloc : memref<!tpu.dma_semaphore, #tpu.memory_space<semaphore_mem>>
        %dma_start3A_25 = arith.constant 0 : i32
        %dma_start3A_26 = tpu.memref_slice %arg2[%add3A_20, %dma_start3A_25] : memref<2048x768xf32, #tpu.memory_space<hbm>> -> memref<64x768xf32, #tpu.memory_space<hbm>>
        %dma_start3A_27 = arith.constant 0 : i32
        %dma_start3A_28 = tpu.memref_slice %arg2[%add3A_20, %dma_start3A_27] : memref<2048x768xf32, #tpu.memory_space<hbm>> -> memref<64x768xf32, #tpu.memory_space<hbm>>
        tpu.enqueue_dma source(%dma_start3A_28 : memref<64x768xf32, #tpu.memory_space<hbm>>) target(%arg6 : memref<64x768xf32, #tpu.memory_space<vmem>>) target_semaphore(%run_scoped3A : memref<!tpu.dma_semaphore, #tpu.memory_space<semaphore_mem>>)
        %dma_wait3A_29 = arith.constant 0 : i32
        %dma_wait3A_30 = tpu.memref_slice %arg2[%add3A_20, %dma_wait3A_29] : memref<2048x768xf32, #tpu.memory_space<hbm>> -> memref<64x768xf32, #tpu.memory_space<hbm>>
        %dma_wait3A_31 = arith.constant 0 : i32
        %dma_wait3A_32 = tpu.memref_slice %arg2[%add3A_20, %dma_wait3A_31] : memref<2048x768xf32, #tpu.memory_space<hbm>> -> memref<64x768xf32, #tpu.memory_space<hbm>>
        tpu.wait_dma2 semaphore(%run_scoped3A : memref<!tpu.dma_semaphore, #tpu.memory_space<semaphore_mem>>) src(%dma_wait3A_32 : memref<64x768xf32, #tpu.memory_space<hbm>>) dst(%arg6 : memref<64x768xf32, #tpu.memory_space<vmem>>)
        tpu.yield
      }) : () -> ()
      %dma_start3A = arith.constant 0 : i32
      %dma_start3A_21 = arith.constant 0 : i32
      %dma_start3A_22 = tpu.memref_slice %arg4[%dma_start3A, %dma_start3A_21] : memref<12288x768xf32, #tpu.memory_space<hbm>> -> memref<12288x768xf32, #tpu.memory_space<hbm>>
      tpu.enqueue_indirect_dma source(%arg6 : memref<64x768xf32, #tpu.memory_space<vmem>>) target(%dma_start3A_22 : memref<12288x768xf32, #tpu.memory_space<hbm>>) offsets(%arg5 : memref<64xi32, #tpu.memory_space<vmem>>) semaphore(%arg7 : memref<!tpu.dma_semaphore, #tpu.memory_space<semaphore_mem>>)
      %dma_wait3A = arith.constant 0 : i32
      %dma_wait3A_23 = arith.constant 0 : i32
      %dma_wait3A_24 = tpu.memref_slice %arg4[%dma_wait3A, %dma_wait3A_23] : memref<12288x768xf32, #tpu.memory_space<hbm>> -> memref<12288x768xf32, #tpu.memory_space<hbm>>
      tpu.wait_indirect_dma semaphore(%arg7 : memref<!tpu.dma_semaphore, #tpu.memory_space<semaphore_mem>>) src(%arg6 : memref<64x768xf32, #tpu.memory_space<vmem>>) dst(%dma_wait3A_24 : memref<12288x768xf32, #tpu.memory_space<hbm>>)
    }
    %scan3A_9 = arith.constant 2 : i32
    return
  }
}

#map = affine_map<(d0, d1) -> (0, 0)>
#map1 = affine_map<(d0, d1) -> (0)>
module attributes {stable_mosaic.version = 14 : i64} {
  func.func @kern(%arg0: i32, %arg1: i32, %arg2: memref<12288x768xf32, #tpu.memory_space<hbm>>, %arg3: memref<4096xi32, #tpu.memory_space<hbm>>, %arg4: memref<4096x768xf32, #tpu.memory_space<hbm>>, %arg5: memref<64xi32, #tpu.memory_space<vmem>>, %arg6: memref<64x768xf32, #tpu.memory_space<vmem>>, %arg7: memref<!tpu.dma_semaphore, #tpu.memory_space<semaphore_mem>>) attributes {dimension_semantics = [#tpu.dimension_semantics<core_parallel>, #tpu.dimension_semantics<subcore_parallel>], iteration_bounds = array<i64: 2, 16>, scalar_prefetch = 0 : i64, scratch_operands = 3 : i64, tpu.core_type = #tpu.core_type<sc_vector_subcore>, window_params = [{transform_indices = #map}, {transform_indices = #map1}, {transform_indices = #map}]} {
    %mul3A = arith.constant 2 : i32
    %mul3A_0 = arith.muli %arg1, %mul3A : i32
    %add3A = arith.addi %mul3A_0, %arg0 : i32
    %mul3A_1 = arith.constant 128 : i32
    %mul3A_2 = arith.muli %add3A, %mul3A_1 : i32
    %scan3A = arith.constant 0 : i32
    %scan3A_3 = arith.constant 2 : i32
    %scan3A_4 = arith.addi %scan3A, %scan3A_3 : i32
    %scan3A_5 = arith.constant 1 : i32
    scf.for %scan3A_7 = %scan3A to %scan3A_4 step %scan3A_5  : i32 {
      %mul3A_8 = arith.constant 1 : i32
      %mul3A_9 = arith.muli %scan3A_7, %mul3A_8 : i32
      %add3A_10 = arith.constant 0 : i32
      %add3A_11 = arith.addi %add3A_10, %mul3A_9 : i32
      %mul3A_12 = arith.constant 64 : i32
      %mul3A_13 = arith.muli %add3A_11, %mul3A_12 : i32
      %add3A_14 = arith.addi %mul3A_2, %mul3A_13 : i32
      "tpu.region"() ({
        %run_scoped3A = tpu.sem_alloc : memref<!tpu.dma_semaphore, #tpu.memory_space<semaphore_mem>>
        %dma_start3A_19 = tpu.memref_slice %arg3[%add3A_14] : memref<4096xi32, #tpu.memory_space<hbm>> -> memref<64xi32, #tpu.memory_space<hbm>>
        %dma_start3A_20 = tpu.memref_slice %arg3[%add3A_14] : memref<4096xi32, #tpu.memory_space<hbm>> -> memref<64xi32, #tpu.memory_space<hbm>>
        tpu.enqueue_dma source(%dma_start3A_20 : memref<64xi32, #tpu.memory_space<hbm>>) target(%arg5 : memref<64xi32, #tpu.memory_space<vmem>>) target_semaphore(%run_scoped3A : memref<!tpu.dma_semaphore, #tpu.memory_space<semaphore_mem>>)
        %dma_wait3A_21 = tpu.memref_slice %arg3[%add3A_14] : memref<4096xi32, #tpu.memory_space<hbm>> -> memref<64xi32, #tpu.memory_space<hbm>>
        %dma_wait3A_22 = tpu.memref_slice %arg3[%add3A_14] : memref<4096xi32, #tpu.memory_space<hbm>> -> memref<64xi32, #tpu.memory_space<hbm>>
        tpu.wait_dma2 semaphore(%run_scoped3A : memref<!tpu.dma_semaphore, #tpu.memory_space<semaphore_mem>>) src(%dma_wait3A_22 : memref<64xi32, #tpu.memory_space<hbm>>) dst(%arg5 : memref<64xi32, #tpu.memory_space<vmem>>)
        tpu.yield
      }) : () -> ()
      %dma_start3A = arith.constant 0 : i32
      %dma_start3A_15 = arith.constant 0 : i32
      %dma_start3A_16 = tpu.memref_slice %arg2[%dma_start3A, %dma_start3A_15] : memref<12288x768xf32, #tpu.memory_space<hbm>> -> memref<12288x768xf32, #tpu.memory_space<hbm>>
      tpu.enqueue_indirect_dma source(%dma_start3A_16 : memref<12288x768xf32, #tpu.memory_space<hbm>>) target(%arg6 : memref<64x768xf32, #tpu.memory_space<vmem>>) offsets(%arg5 : memref<64xi32, #tpu.memory_space<vmem>>) semaphore(%arg7 : memref<!tpu.dma_semaphore, #tpu.memory_space<semaphore_mem>>)
      %dma_wait3A = arith.constant 0 : i32
      %dma_wait3A_17 = arith.constant 0 : i32
      %dma_wait3A_18 = tpu.memref_slice %arg2[%dma_wait3A, %dma_wait3A_17] : memref<12288x768xf32, #tpu.memory_space<hbm>> -> memref<12288x768xf32, #tpu.memory_space<hbm>>
      tpu.wait_indirect_dma semaphore(%arg7 : memref<!tpu.dma_semaphore, #tpu.memory_space<semaphore_mem>>) src(%dma_wait3A_18 : memref<12288x768xf32, #tpu.memory_space<hbm>>) dst(%arg6 : memref<64x768xf32, #tpu.memory_space<vmem>>)
      "tpu.region"() ({
        %run_scoped3A = tpu.sem_alloc : memref<!tpu.dma_semaphore, #tpu.memory_space<semaphore_mem>>
        %dma_start3A_19 = arith.constant 0 : i32
        %dma_start3A_20 = tpu.memref_slice %arg4[%add3A_14, %dma_start3A_19] : memref<4096x768xf32, #tpu.memory_space<hbm>> -> memref<64x768xf32, #tpu.memory_space<hbm>>
        %dma_start3A_21 = arith.constant 0 : i32
        %dma_start3A_22 = tpu.memref_slice %arg4[%add3A_14, %dma_start3A_21] : memref<4096x768xf32, #tpu.memory_space<hbm>> -> memref<64x768xf32, #tpu.memory_space<hbm>>
        tpu.enqueue_dma source(%arg6 : memref<64x768xf32, #tpu.memory_space<vmem>>) target(%dma_start3A_22 : memref<64x768xf32, #tpu.memory_space<hbm>>) target_semaphore(%run_scoped3A : memref<!tpu.dma_semaphore, #tpu.memory_space<semaphore_mem>>)
        %dma_wait3A_23 = arith.constant 0 : i32
        %dma_wait3A_24 = tpu.memref_slice %arg4[%add3A_14, %dma_wait3A_23] : memref<4096x768xf32, #tpu.memory_space<hbm>> -> memref<64x768xf32, #tpu.memory_space<hbm>>
        %dma_wait3A_25 = arith.constant 0 : i32
        %dma_wait3A_26 = tpu.memref_slice %arg4[%add3A_14, %dma_wait3A_25] : memref<4096x768xf32, #tpu.memory_space<hbm>> -> memref<64x768xf32, #tpu.memory_space<hbm>>
        tpu.wait_dma2 semaphore(%run_scoped3A : memref<!tpu.dma_semaphore, #tpu.memory_space<semaphore_mem>>) src(%arg6 : memref<64x768xf32, #tpu.memory_space<vmem>>) dst(%dma_wait3A_26 : memref<64x768xf32, #tpu.memory_space<hbm>>)
        tpu.yield
      }) : () -> ()
    }
    %scan3A_6 = arith.constant 2 : i32
    return
  }
}

module attributes {stable_mosaic.version = 14 : i64} {
  func.func @_qkv_body(%arg0: i32, %arg1: memref<1x256x768xf32, #tpu.memory_space<vmem>>, %arg2: memref<5x768xf32, #tpu.memory_space<vmem>>, %arg3: memref<768x768xf32, #tpu.memory_space<vmem>>, %arg4: memref<768x768xf32, #tpu.memory_space<vmem>>, %arg5: memref<768x768xf32, #tpu.memory_space<vmem>>, %arg6: memref<256x768xf32, #tpu.memory_space<vmem>>, %arg7: memref<256x768xf32, #tpu.memory_space<vmem>>, %arg8: memref<256x768xf32, #tpu.memory_space<vmem>>) attributes {dimension_semantics = [#tpu.dimension_semantics<arbitrary>], iteration_bounds = array<i64: 8>, scalar_prefetch = 0 : i64, scratch_operands = 0 : i64, tpu.core_type = #tpu.core_type<tc>, window_params = [{transform_indices = @transform_0, window_bounds = array<i64: 1, 256, 768>}, {pipeline_mode = #tpu.pipeline_mode<synchronous>, transform_indices = @transform_1, window_bounds = array<i64: 5, 768>}, {pipeline_mode = #tpu.pipeline_mode<synchronous>, transform_indices = @transform_2, window_bounds = array<i64: 768, 768>}, {pipeline_mode = #tpu.pipeline_mode<synchronous>, transform_indices = @transform_3, window_bounds = array<i64: 768, 768>}, {pipeline_mode = #tpu.pipeline_mode<synchronous>, transform_indices = @transform_4, window_bounds = array<i64: 768, 768>}, {transform_indices = @transform_5, window_bounds = array<i64: 256, 768>}, {transform_indices = @transform_6, window_bounds = array<i64: 256, 768>}, {transform_indices = @transform_7, window_bounds = array<i64: 256, 768>}]} {
    %get3A = arith.constant 0 : index
    %get3A_0 = arith.constant 0 : index
    %get3A_1 = arith.constant 0 : index
    %get3A_2 = vector.load %arg1[%get3A, %get3A_0, %get3A_1] : memref<1x256x768xf32, #tpu.memory_space<vmem>>, vector<1x256x768xf32>
    %get3A_3 = vector.shape_cast %get3A_2 : vector<1x256x768xf32> to vector<256x768xf32>
    %reduce_sum3A = arith.constant dense<0.000000e+00> : vector<256xf32>
    %reduce_sum3A_4 = vector.multi_reduction <add>, %get3A_3, %reduce_sum3A [1] : vector<256x768xf32> to vector<256xf32>
    %broadcast_in_dim3A = vector.shape_cast %reduce_sum3A_4 : vector<256xf32> to vector<256x1xf32>
    %div3A = arith.constant 7.680000e+02 : f32
    %div3A_5 = vector.broadcast %div3A : f32 to vector<256x1xf32>
    %div3A_6 = arith.divf %broadcast_in_dim3A, %div3A_5 : vector<256x1xf32>
    %sub3A = vector.broadcast %div3A_6 : vector<256x1xf32> to vector<256x768xf32>
    %sub3A_7 = arith.subf %get3A_3, %sub3A : vector<256x768xf32>
    %mul3A = arith.mulf %sub3A_7, %sub3A_7 : vector<256x768xf32>
    %reduce_sum3A_8 = arith.constant dense<0.000000e+00> : vector<256xf32>
    %reduce_sum3A_9 = vector.multi_reduction <add>, %mul3A, %reduce_sum3A_8 [1] : vector<256x768xf32> to vector<256xf32>
    %broadcast_in_dim3A_10 = vector.shape_cast %reduce_sum3A_9 : vector<256xf32> to vector<256x1xf32>
    %div3A_11 = arith.constant 7.680000e+02 : f32
    %div3A_12 = vector.broadcast %div3A_11 : f32 to vector<256x1xf32>
    %div3A_13 = arith.divf %broadcast_in_dim3A_10, %div3A_12 : vector<256x1xf32>
    %add3A = arith.constant 9.99999974E-6 : f32
    %add3A_14 = vector.broadcast %add3A : f32 to vector<256x1xf32>
    %add3A_15 = arith.addf %div3A_13, %add3A_14 : vector<256x1xf32>
    %rsqrt3A = math.rsqrt %add3A_15 : vector<256x1xf32>
    %mul3A_16 = vector.broadcast %rsqrt3A : vector<256x1xf32> to vector<256x768xf32>
    %mul3A_17 = arith.mulf %sub3A_7, %mul3A_16 : vector<256x768xf32>
    %get3A_18 = arith.constant 0 : index
    %get3A_19 = arith.constant 0 : index
    %get3A_20 = vector.load %arg2[%get3A_18, %get3A_19] : memref<5x768xf32, #tpu.memory_space<vmem>>, vector<1x768xf32>
    %mul3A_21 = vector.broadcast %get3A_20 : vector<1x768xf32> to vector<256x768xf32>
    %mul3A_22 = arith.mulf %mul3A_17, %mul3A_21 : vector<256x768xf32>
    %get3A_23 = arith.constant 1 : index
    %get3A_24 = arith.constant 0 : index
    %get3A_25 = vector.load %arg2[%get3A_23, %get3A_24] : memref<5x768xf32, #tpu.memory_space<vmem>>, vector<1x768xf32>
    %add3A_26 = vector.broadcast %get3A_25 : vector<1x768xf32> to vector<256x768xf32>
    %add3A_27 = arith.addf %mul3A_22, %add3A_26 : vector<256x768xf32>
    %convert_element_type3A = arith.truncf %add3A_27 : vector<256x768xf32> to vector<256x768xbf16>
    %get3A_28 = arith.constant 0 : index
    %get3A_29 = arith.constant 0 : index
    %get3A_30 = vector.load %arg3[%get3A_28, %get3A_29] : memref<768x768xf32, #tpu.memory_space<vmem>>, vector<768x768xf32>
    %convert_element_type3A_31 = arith.truncf %get3A_30 : vector<768x768xf32> to vector<768x768xbf16>
    %dot_general3A = arith.constant dense<0.000000e+00> : vector<256x768xf32>
    %dot_general3A_32 = tpu.matmul %convert_element_type3A, %convert_element_type3A_31, %dot_general3A {dimension_numbers = #tpu.dot_dimension_numbers<[1], [0], [0], [1], [0, 0, 1, 1], [], []>, transpose_lhs_hint = false} : vector<256x768xbf16>, vector<768x768xbf16>, vector<256x768xf32> -> vector<256x768xf32>
    %get3A_33 = arith.constant 2 : index
    %get3A_34 = arith.constant 0 : index
    %get3A_35 = vector.load %arg2[%get3A_33, %get3A_34] : memref<5x768xf32, #tpu.memory_space<vmem>>, vector<1x768xf32>
    %add3A_36 = vector.broadcast %get3A_35 : vector<1x768xf32> to vector<256x768xf32>
    %add3A_37 = arith.addf %dot_general3A_32, %add3A_36 : vector<256x768xf32>
    %mul3A_38 = arith.constant 1.250000e-01 : f32
    %mul3A_39 = vector.broadcast %mul3A_38 : f32 to vector<256x768xf32>
    %mul3A_40 = arith.mulf %add3A_37, %mul3A_39 : vector<256x768xf32>
    %swap3A = arith.constant 0 : index
    %swap3A_41 = arith.constant 0 : index
    %swap3A_42 = vector.load %arg6[%swap3A, %swap3A_41] : memref<256x768xf32, #tpu.memory_space<vmem>>, vector<256x768xf32>
    tpu.vector_store %arg6[%swap3A, %swap3A_41], %mul3A_40 {strides = array<i32>} : memref<256x768xf32, #tpu.memory_space<vmem>>, vector<256x768xf32>,
    %get3A_43 = arith.constant 0 : index
    %get3A_44 = arith.constant 0 : index
    %get3A_45 = vector.load %arg4[%get3A_43, %get3A_44] : memref<768x768xf32, #tpu.memory_space<vmem>>, vector<768x768xf32>
    %convert_element_type3A_46 = arith.truncf %get3A_45 : vector<768x768xf32> to vector<768x768xbf16>
    %dot_general3A_47 = arith.constant dense<0.000000e+00> : vector<256x768xf32>
    %dot_general3A_48 = tpu.matmul %convert_element_type3A, %convert_element_type3A_46, %dot_general3A_47 {dimension_numbers = #tpu.dot_dimension_numbers<[1], [0], [0], [1], [0, 0, 1, 1], [], []>, transpose_lhs_hint = false} : vector<256x768xbf16>, vector<768x768xbf16>, vector<256x768xf32> -> vector<256x768xf32>
    %get3A_49 = arith.constant 3 : index
    %get3A_50 = arith.constant 0 : index
    %get3A_51 = vector.load %arg2[%get3A_49, %get3A_50] : memref<5x768xf32, #tpu.memory_space<vmem>>, vector<1x768xf32>
    %add3A_52 = vector.broadcast %get3A_51 : vector<1x768xf32> to vector<256x768xf32>
    %add3A_53 = arith.addf %dot_general3A_48, %add3A_52 : vector<256x768xf32>
    %swap3A_54 = arith.constant 0 : index
    %swap3A_55 = arith.constant 0 : index
    %swap3A_56 = vector.load %arg7[%swap3A_54, %swap3A_55] : memref<256x768xf32, #tpu.memory_space<vmem>>, vector<256x768xf32>
    tpu.vector_store %arg7[%swap3A_54, %swap3A_55], %add3A_53 {strides = array<i32>} : memref<256x768xf32, #tpu.memory_space<vmem>>, vector<256x768xf32>,
    %get3A_57 = arith.constant 0 : index
    %get3A_58 = arith.constant 0 : index
    %get3A_59 = vector.load %arg5[%get3A_57, %get3A_58] : memref<768x768xf32, #tpu.memory_space<vmem>>, vector<768x768xf32>
    %convert_element_type3A_60 = arith.truncf %get3A_59 : vector<768x768xf32> to vector<768x768xbf16>
    %dot_general3A_61 = arith.constant dense<0.000000e+00> : vector<256x768xf32>
    %dot_general3A_62 = tpu.matmul %convert_element_type3A, %convert_element_type3A_60, %dot_general3A_61 {dimension_numbers = #tpu.dot_dimension_numbers<[1], [0], [0], [1], [0, 0, 1, 1], [], []>, transpose_lhs_hint = false} : vector<256x768xbf16>, vector<768x768xbf16>, vector<256x768xf32> -> vector<256x768xf32>
    %get3A_63 = arith.constant 4 : index
    %get3A_64 = arith.constant 0 : index
    %get3A_65 = vector.load %arg2[%get3A_63, %get3A_64] : memref<5x768xf32, #tpu.memory_space<vmem>>, vector<1x768xf32>
    %add3A_66 = vector.broadcast %get3A_65 : vector<1x768xf32> to vector<256x768xf32>
    %add3A_67 = arith.addf %dot_general3A_62, %add3A_66 : vector<256x768xf32>
    %swap3A_68 = arith.constant 0 : index
    %swap3A_69 = arith.constant 0 : index
    %swap3A_70 = vector.load %arg8[%swap3A_68, %swap3A_69] : memref<256x768xf32, #tpu.memory_space<vmem>>, vector<256x768xf32>
    tpu.vector_store %arg8[%swap3A_68, %swap3A_69], %add3A_67 {strides = array<i32>} : memref<256x768xf32, #tpu.memory_space<vmem>>, vector<256x768xf32>,
    return
  }
  func.func @transform_0(%arg0: i32) -> (i32, i32, i32) {
    %c0_i32 = arith.constant 0 : i32
    %c0_i32_0 = arith.constant 0 : i32
    %c0_i32_1 = arith.constant 0 : i32
    return %c0_i32, %arg0, %c0_i32_0 : i32, i32, i32
  }
  func.func @transform_1(%arg0: i32) -> (i32, i32) {
    %c0_i32 = arith.constant 0 : i32
    %c0_i32_0 = arith.constant 0 : i32
    %c0_i32_1 = arith.constant 0 : i32
    return %c0_i32, %c0_i32_0 : i32, i32
  }
  func.func @transform_2(%arg0: i32) -> (i32, i32) {
    %c0_i32 = arith.constant 0 : i32
    %c0_i32_0 = arith.constant 0 : i32
    %c0_i32_1 = arith.constant 0 : i32
    return %c0_i32, %c0_i32_0 : i32, i32
  }
  func.func @transform_3(%arg0: i32) -> (i32, i32) {
    %c0_i32 = arith.constant 0 : i32
    %c0_i32_0 = arith.constant 0 : i32
    %c0_i32_1 = arith.constant 0 : i32
    return %c0_i32, %c0_i32_0 : i32, i32
  }
  func.func @transform_4(%arg0: i32) -> (i32, i32) {
    %c0_i32 = arith.constant 0 : i32
    %c0_i32_0 = arith.constant 0 : i32
    %c0_i32_1 = arith.constant 0 : i32
    return %c0_i32, %c0_i32_0 : i32, i32
  }
  func.func @transform_5(%arg0: i32) -> (i32, i32) {
    %c0_i32 = arith.constant 0 : i32
    %c0_i32_0 = arith.constant 0 : i32
    return %arg0, %c0_i32 : i32, i32
  }
  func.func @transform_6(%arg0: i32) -> (i32, i32) {
    %c0_i32 = arith.constant 0 : i32
    %c0_i32_0 = arith.constant 0 : i32
    return %arg0, %c0_i32 : i32, i32
  }
  func.func @transform_7(%arg0: i32) -> (i32, i32) {
    %c0_i32 = arith.constant 0 : i32
    %c0_i32_0 = arith.constant 0 : i32
    return %arg0, %c0_i32 : i32, i32
  }
}

module attributes {stable_mosaic.version = 14 : i64} {
  func.func @_post_route_body(%arg0: i32, %arg1: i32, %arg2: memref<256x768xf32, #tpu.memory_space<vmem>>, %arg3: memref<1x256x768xf32, #tpu.memory_space<vmem>>, %arg4: memref<768x768xf32, #tpu.memory_space<vmem>>, %arg5: memref<3x768xf32, #tpu.memory_space<vmem>>, %arg6: memref<768x64xf32, #tpu.memory_space<vmem>>, %arg7: memref<1x64xf32, #tpu.memory_space<vmem>>, %arg8: memref<256x768xf32, #tpu.memory_space<vmem>>, %arg9: memref<256x768xf32, #tpu.memory_space<vmem>>, %arg10: memref<256x2xf32, #tpu.memory_space<vmem>>, %arg11: memref<256x2xi32, #tpu.memory_space<vmem>>, %arg12: memref<96x1xi32, #tpu.memory_space<vmem>>, %arg13: memref<96x1xi32, #tpu.memory_space<vmem>>, %arg14: memref<1x1xi32, #tpu.memory_space<vmem>>, %arg15: memref<2048x2xi32, #tpu.memory_space<vmem>>, %arg16: memref<1x64xf32, #tpu.memory_space<vmem>>, %arg17: memref<1x64xf32, #tpu.memory_space<vmem>>, %arg18: memref<1x64xf32, #tpu.memory_space<vmem>>) attributes {dimension_semantics = [#tpu.dimension_semantics<arbitrary>, #tpu.dimension_semantics<arbitrary>], iteration_bounds = array<i64: 2, 8>, scalar_prefetch = 0 : i64, scratch_operands = 4 : i64, tpu.core_type = #tpu.core_type<tc>, window_params = [{transform_indices = @transform_0, window_bounds = array<i64: 256, 768>}, {transform_indices = @transform_1, window_bounds = array<i64: 1, 256, 768>}, {pipeline_mode = #tpu.pipeline_mode<synchronous>, transform_indices = @transform_2, window_bounds = array<i64: 768, 768>}, {pipeline_mode = #tpu.pipeline_mode<synchronous>, transform_indices = @transform_3, window_bounds = array<i64: 3, 768>}, {pipeline_mode = #tpu.pipeline_mode<synchronous>, transform_indices = @transform_4, window_bounds = array<i64: 768, 64>}, {pipeline_mode = #tpu.pipeline_mode<synchronous>, transform_indices = @transform_5, window_bounds = array<i64: 1, 64>}, {transform_indices = @transform_6, window_bounds = array<i64: 256, 768>}, {transform_indices = @transform_7, window_bounds = array<i64: 256, 768>}, {transform_indices = @transform_8, window_bounds = array<i64: 256, 2>}, {transform_indices = @transform_9, window_bounds = array<i64: 256, 2>}, {pipeline_mode = #tpu.pipeline_mode<synchronous>, transform_indices = @transform_10, window_bounds = array<i64: 96, 1>}, {pipeline_mode = #tpu.pipeline_mode<synchronous>, transform_indices = @transform_11, window_bounds = array<i64: 96, 1>}, {pipeline_mode = #tpu.pipeline_mode<synchronous>, transform_indices = @transform_12, window_bounds = array<i64: 1, 1>}]} {
    %eq3A = arith.constant 0 : i32
    %eq3A_0 = arith.cmpi eq, %arg0, %eq3A : i32
    %convert_element_type3A = arith.extui %eq3A_0 : i1 to i32
    %cond3A = arith.constant 0 : i32
    %cond3A_1 = arith.cmpi ne, %convert_element_type3A, %cond3A : i32
    scf.if %cond3A_1 {
      %get3A = arith.constant 0 : index
      %get3A_14 = arith.constant 0 : index
      %get3A_15 = arith.constant 0 : index
      %get3A_16 = vector.load %arg3[%get3A, %get3A_14, %get3A_15] : memref<1x256x768xf32, #tpu.memory_space<vmem>>, vector<1x256x768xf32>
      %get3A_17 = vector.shape_cast %get3A_16 : vector<1x256x768xf32> to vector<256x768xf32>
      %get3A_18 = arith.constant 0 : index
      %get3A_19 = arith.constant 0 : index
      %get3A_20 = vector.load %arg5[%get3A_18, %get3A_19] : memref<3x768xf32, #tpu.memory_space<vmem>>, vector<1x768xf32>
      %add3A = vector.broadcast %get3A_20 : vector<1x768xf32> to vector<256x768xf32>
      %add3A_21 = arith.addf %get3A_17, %add3A : vector<256x768xf32>
      %get3A_22 = arith.constant 0 : index
      %get3A_23 = arith.constant 0 : index
      %get3A_24 = vector.load %arg2[%get3A_22, %get3A_23] : memref<256x768xf32, #tpu.memory_space<vmem>>, vector<256x768xf32>
      %get3A_25 = arith.constant 0 : index
      %get3A_26 = arith.constant 0 : index
      %get3A_27 = vector.load %arg4[%get3A_25, %get3A_26] : memref<768x768xf32, #tpu.memory_space<vmem>>, vector<768x768xf32>
      %dot_general3A = arith.constant dense<0.000000e+00> : vector<256x768xf32>
      %dot_general3A_28 = tpu.matmul %get3A_24, %get3A_27, %dot_general3A {dimension_numbers = #tpu.dot_dimension_numbers<[1], [0], [0], [1], [0, 0, 1, 1], [], []>, transpose_lhs_hint = false} : vector<256x768xf32>, vector<768x768xf32>, vector<256x768xf32> -> vector<256x768xf32>
      %add3A_29 = arith.addf %add3A_21, %dot_general3A_28 : vector<256x768xf32>
      %swap3A = arith.constant 0 : index
      %swap3A_30 = arith.constant 0 : index
      %swap3A_31 = vector.load %arg8[%swap3A, %swap3A_30] : memref<256x768xf32, #tpu.memory_space<vmem>>, vector<256x768xf32>
      tpu.vector_store %arg8[%swap3A, %swap3A_30], %add3A_29 {strides = array<i32>} : memref<256x768xf32, #tpu.memory_space<vmem>>, vector<256x768xf32>,
      %reduce_sum3A = arith.constant dense<0.000000e+00> : vector<256xf32>
      %reduce_sum3A_32 = vector.multi_reduction <add>, %add3A_29, %reduce_sum3A [1] : vector<256x768xf32> to vector<256xf32>
      %broadcast_in_dim3A = vector.shape_cast %reduce_sum3A_32 : vector<256xf32> to vector<256x1xf32>
      %div3A = arith.constant 7.680000e+02 : f32
      %div3A_33 = vector.broadcast %div3A : f32 to vector<256x1xf32>
      %div3A_34 = arith.divf %broadcast_in_dim3A, %div3A_33 : vector<256x1xf32>
      %sub3A = vector.broadcast %div3A_34 : vector<256x1xf32> to vector<256x768xf32>
      %sub3A_35 = arith.subf %add3A_29, %sub3A : vector<256x768xf32>
      %mul3A = arith.mulf %sub3A_35, %sub3A_35 : vector<256x768xf32>
      %reduce_sum3A_36 = arith.constant dense<0.000000e+00> : vector<256xf32>
      %reduce_sum3A_37 = vector.multi_reduction <add>, %mul3A, %reduce_sum3A_36 [1] : vector<256x768xf32> to vector<256xf32>
      %broadcast_in_dim3A_38 = vector.shape_cast %reduce_sum3A_37 : vector<256xf32> to vector<256x1xf32>
      %div3A_39 = arith.constant 7.680000e+02 : f32
      %div3A_40 = vector.broadcast %div3A_39 : f32 to vector<256x1xf32>
      %div3A_41 = arith.divf %broadcast_in_dim3A_38, %div3A_40 : vector<256x1xf32>
      %add3A_42 = arith.constant 9.99999974E-6 : f32
      %add3A_43 = vector.broadcast %add3A_42 : f32 to vector<256x1xf32>
      %add3A_44 = arith.addf %div3A_41, %add3A_43 : vector<256x1xf32>
      %rsqrt3A = math.rsqrt %add3A_44 : vector<256x1xf32>
      %mul3A_45 = vector.broadcast %rsqrt3A : vector<256x1xf32> to vector<256x768xf32>
      %mul3A_46 = arith.mulf %sub3A_35, %mul3A_45 : vector<256x768xf32>
      %get3A_47 = arith.constant 1 : index
      %get3A_48 = arith.constant 0 : index
      %get3A_49 = vector.load %arg5[%get3A_47, %get3A_48] : memref<3x768xf32, #tpu.memory_space<vmem>>, vector<1x768xf32>
      %mul3A_50 = vector.broadcast %get3A_49 : vector<1x768xf32> to vector<256x768xf32>
      %mul3A_51 = arith.mulf %mul3A_46, %mul3A_50 : vector<256x768xf32>
      %get3A_52 = arith.constant 2 : index
      %get3A_53 = arith.constant 0 : index
      %get3A_54 = vector.load %arg5[%get3A_52, %get3A_53] : memref<3x768xf32, #tpu.memory_space<vmem>>, vector<1x768xf32>
      %add3A_55 = vector.broadcast %get3A_54 : vector<1x768xf32> to vector<256x768xf32>
      %add3A_56 = arith.addf %mul3A_51, %add3A_55 : vector<256x768xf32>
      %swap3A_57 = arith.constant 0 : index
      %swap3A_58 = arith.constant 0 : index
      %swap3A_59 = vector.load %arg9[%swap3A_57, %swap3A_58] : memref<256x768xf32, #tpu.memory_space<vmem>>, vector<256x768xf32>
      tpu.vector_store %arg9[%swap3A_57, %swap3A_58], %add3A_56 {strides = array<i32>} : memref<256x768xf32, #tpu.memory_space<vmem>>, vector<256x768xf32>,
      %get3A_60 = arith.constant 0 : index
      %get3A_61 = arith.constant 0 : index
      %get3A_62 = vector.load %arg6[%get3A_60, %get3A_61] : memref<768x64xf32, #tpu.memory_space<vmem>>, vector<768x64xf32>
      %dot_general3A_63 = arith.constant dense<0.000000e+00> : vector<256x64xf32>
      %dot_general3A_64 = tpu.matmul %add3A_56, %get3A_62, %dot_general3A_63 {dimension_numbers = #tpu.dot_dimension_numbers<[1], [0], [0], [1], [0, 0, 1, 1], [], []>, transpose_lhs_hint = false} : vector<256x768xf32>, vector<768x64xf32>, vector<256x64xf32> -> vector<256x64xf32>
      %get3A_65 = arith.constant 0 : index
      %get3A_66 = arith.constant 0 : index
      %get3A_67 = vector.load %arg7[%get3A_65, %get3A_66] : memref<1x64xf32, #tpu.memory_space<vmem>>, vector<1x64xf32>
      %add3A_68 = vector.broadcast %get3A_67 : vector<1x64xf32> to vector<256x64xf32>
      %add3A_69 = arith.addf %dot_general3A_64, %add3A_68 : vector<256x64xf32>
      %iota3A = tpu.iota {dimensions = array<i32: 1>} : vector<256x64xi32>
      %reduce_max3A = arith.constant dense<0xFF800000> : vector<256xf32>
      %reduce_max3A_70 = vector.multi_reduction <maximumf>, %add3A_69, %reduce_max3A [1] : vector<256x64xf32> to vector<256xf32>
      %broadcast_in_dim3A_71 = vector.shape_cast %reduce_max3A_70 : vector<256xf32> to vector<256x1xf32>
      %eq3A_72 = vector.broadcast %broadcast_in_dim3A_71 : vector<256x1xf32> to vector<256x64xf32>
      %eq3A_73 = arith.cmpf oeq, %add3A_69, %eq3A_72 : vector<256x64xf32>
      %jit3A = arith.constant 64 : i32
      %broadcast_in_dim3A_74 = vector.broadcast %jit3A : i32 to vector<256x64xi32>
      %select_n3A = arith.select %eq3A_73, %iota3A, %broadcast_in_dim3A_74 : vector<256x64xi1>, vector<256x64xi32>
      %reduce_min3A = arith.constant dense<2147483647> : vector<256xi32>
      %reduce_min3A_75 = vector.multi_reduction <minsi>, %select_n3A, %reduce_min3A [1] : vector<256x64xi32> to vector<256xi32>
      %broadcast_in_dim3A_76 = vector.shape_cast %reduce_min3A_75 : vector<256xi32> to vector<256x1xi32>
      %eq3A_77 = vector.broadcast %broadcast_in_dim3A_76 : vector<256x1xi32> to vector<256x64xi32>
      %eq3A_78 = arith.cmpi eq, %iota3A, %eq3A_77 : vector<256x64xi32>
      %jit3A_79 = arith.constant -1.000000e+30 : f32
      %broadcast_in_dim3A_80 = vector.broadcast %jit3A_79 : f32 to vector<256x64xf32>
      %select_n3A_81 = arith.select %eq3A_78, %broadcast_in_dim3A_80, %add3A_69 : vector<256x64xi1>, vector<256x64xf32>
      %reduce_max3A_82 = arith.constant dense<0xFF800000> : vector<256xf32>
      %reduce_max3A_83 = vector.multi_reduction <maximumf>, %select_n3A_81, %reduce_max3A_82 [1] : vector<256x64xf32> to vector<256xf32>
      %broadcast_in_dim3A_84 = vector.shape_cast %reduce_max3A_83 : vector<256xf32> to vector<256x1xf32>
      %eq3A_85 = vector.broadcast %broadcast_in_dim3A_84 : vector<256x1xf32> to vector<256x64xf32>
      %eq3A_86 = arith.cmpf oeq, %select_n3A_81, %eq3A_85 : vector<256x64xf32>
      %jit3A_87 = arith.constant 64 : i32
      %broadcast_in_dim3A_88 = vector.broadcast %jit3A_87 : i32 to vector<256x64xi32>
      %select_n3A_89 = arith.select %eq3A_86, %iota3A, %broadcast_in_dim3A_88 : vector<256x64xi1>, vector<256x64xi32>
      %reduce_min3A_90 = arith.constant dense<2147483647> : vector<256xi32>
      %reduce_min3A_91 = vector.multi_reduction <minsi>, %select_n3A_89, %reduce_min3A_90 [1] : vector<256x64xi32> to vector<256xi32>
      %broadcast_in_dim3A_92 = vector.shape_cast %reduce_min3A_91 : vector<256xi32> to vector<256x1xi32>
      %sub3A_93 = arith.subf %broadcast_in_dim3A_84, %broadcast_in_dim3A_71 : vector<256x1xf32>
      %exp3A = math.exp %sub3A_93 : vector<256x1xf32>
      %add3A_94 = arith.constant 1.000000e+00 : f32
      %add3A_95 = vector.broadcast %add3A_94 : f32 to vector<256x1xf32>
      %add3A_96 = arith.addf %add3A_95, %exp3A : vector<256x1xf32>
      %div3A_97 = arith.constant 1.000000e+00 : f32
      %div3A_98 = vector.broadcast %div3A_97 : f32 to vector<256x1xf32>
      %div3A_99 = arith.divf %div3A_98, %add3A_96 : vector<256x1xf32>
      %sub3A_100 = arith.constant 1.000000e+00 : f32
      %sub3A_101 = vector.broadcast %sub3A_100 : f32 to vector<256x1xf32>
      %sub3A_102 = arith.subf %sub3A_101, %div3A_99 : vector<256x1xf32>
      %concatenate3A = tpu.concatenate %div3A_99, %sub3A_102 in 1 : vector<256x1xf32>, vector<256x1xf32> -> vector<256x2xf32>
      %swap3A_103 = arith.constant 0 : index
      %swap3A_104 = arith.constant 0 : index
      %swap3A_105 = vector.load %arg10[%swap3A_103, %swap3A_104] : memref<256x2xf32, #tpu.memory_space<vmem>>, vector<256x2xf32>
      tpu.vector_store %arg10[%swap3A_103, %swap3A_104], %concatenate3A {strides = array<i32>} : memref<256x2xf32, #tpu.memory_space<vmem>>, vector<256x2xf32>,
      %concatenate3A_106 = tpu.concatenate %broadcast_in_dim3A_76, %broadcast_in_dim3A_92 in 1 : vector<256x1xi32>, vector<256x1xi32> -> vector<256x2xi32>
      %mul3A_107 = arith.constant 256 : i32
      %mul3A_108 = arith.muli %arg1, %mul3A_107 : i32
      %swap3A_109 = arith.index_cast %mul3A_108 : i32 to index
      %swap3A_110 = arith.constant 0 : index
      %swap3A_111 = vector.load %arg15[%swap3A_109, %swap3A_110] : memref<2048x2xi32, #tpu.memory_space<vmem>>, vector<256x2xi32>
      tpu.vector_store %arg15[%swap3A_109, %swap3A_110], %concatenate3A_106 {strides = array<i32>} : memref<2048x2xi32, #tpu.memory_space<vmem>>, vector<256x2xi32>,
      %iota3A_112 = tpu.iota {dimensions = array<i32: 1>} : vector<256x64xi32>
      %eq3A_113 = vector.broadcast %broadcast_in_dim3A_76 : vector<256x1xi32> to vector<256x64xi32>
      %eq3A_114 = arith.cmpi eq, %iota3A_112, %eq3A_113 : vector<256x64xi32>
      %iota3A_115 = tpu.iota {dimensions = array<i32: 1>} : vector<256x64xi32>
      %eq3A_116 = vector.broadcast %broadcast_in_dim3A_92 : vector<256x1xi32> to vector<256x64xi32>
      %eq3A_117 = arith.cmpi eq, %iota3A_115, %eq3A_116 : vector<256x64xi32>
      %or3A = arith.ori %eq3A_114, %eq3A_117 : vector<256x64xi1>
      %convert_element_type3A_118 = arith.extui %or3A : vector<256x64xi1> to vector<256x64xi32>
      %convert_element_type3A_119 = arith.sitofp %convert_element_type3A_118 : vector<256x64xi32> to vector<256x64xf32>
      %eq3A_120 = arith.constant 0 : i32
      %eq3A_121 = arith.cmpi eq, %arg1, %eq3A_120 : i32
      %convert_element_type3A_122 = arith.extui %eq3A_121 : i1 to i32
      %cond3A_123 = arith.constant 0 : i32
      %cond3A_124 = arith.cmpi ne, %convert_element_type3A_122, %cond3A_123 : i32
      scf.if %cond3A_124 {
        %broadcast_in_dim3A_135 = arith.constant 0.000000e+00 : f32
        %broadcast_in_dim3A_136 = vector.broadcast %broadcast_in_dim3A_135 : f32 to vector<1x64xf32>
        %swap3A_137 = arith.constant 0 : index
        %swap3A_138 = arith.constant 0 : index
        %swap3A_139 = vector.load %arg16[%swap3A_137, %swap3A_138] : memref<1x64xf32, #tpu.memory_space<vmem>>, vector<1x64xf32>
        tpu.vector_store %arg16[%swap3A_137, %swap3A_138], %broadcast_in_dim3A_136 {strides = array<i32>} : memref<1x64xf32, #tpu.memory_space<vmem>>, vector<1x64xf32>,
      } else {
      }
      %get3A_125 = arith.constant 0 : index
      %get3A_126 = arith.constant 0 : index
      %get3A_127 = vector.load %arg16[%get3A_125, %get3A_126] : memref<1x64xf32, #tpu.memory_space<vmem>>, vector<1x64xf32>
      %reduce_sum3A_128 = arith.constant dense<0.000000e+00> : vector<64xf32>
      %reduce_sum3A_129 = vector.multi_reduction <add>, %convert_element_type3A_119, %reduce_sum3A_128 [0] : vector<256x64xf32> to vector<64xf32>
      %broadcast_in_dim3A_130 = vector.shape_cast %reduce_sum3A_129 : vector<64xf32> to vector<1x64xf32>
      %add3A_131 = arith.addf %get3A_127, %broadcast_in_dim3A_130 : vector<1x64xf32>
      %swap3A_132 = arith.constant 0 : index
      %swap3A_133 = arith.constant 0 : index
      %swap3A_134 = vector.load %arg16[%swap3A_132, %swap3A_133] : memref<1x64xf32, #tpu.memory_space<vmem>>, vector<1x64xf32>
      tpu.vector_store %arg16[%swap3A_132, %swap3A_133], %add3A_131 {strides = array<i32>} : memref<1x64xf32, #tpu.memory_space<vmem>>, vector<1x64xf32>,
    } else {
    }
    %eq3A_2 = arith.constant 1 : i32
    %eq3A_3 = arith.cmpi eq, %arg0, %eq3A_2 : i32
    %eq3A_4 = arith.constant 0 : i32
    %eq3A_5 = arith.cmpi eq, %arg1, %eq3A_4 : i32
    %and3A = arith.andi %eq3A_3, %eq3A_5 : i1
    %convert_element_type3A_6 = arith.extui %and3A : i1 to i32
    %cond3A_7 = arith.constant 0 : i32
    %cond3A_8 = arith.cmpi ne, %convert_element_type3A_6, %cond3A_7 : i32
    scf.if %cond3A_8 {
      %get3A = arith.constant 0 : index
      %get3A_14 = arith.constant 0 : index
      %get3A_15 = vector.load %arg16[%get3A, %get3A_14] : memref<1x64xf32, #tpu.memory_space<vmem>>, vector<1x64xf32>
      %add3A = arith.constant 1.270000e+02 : f32
      %add3A_16 = vector.broadcast %add3A : f32 to vector<1x64xf32>
      %add3A_17 = arith.addf %get3A_15, %add3A_16 : vector<1x64xf32>
      %mul3A = arith.constant 7.812500e-03 : f32
      %mul3A_18 = vector.broadcast %mul3A : f32 to vector<1x64xf32>
      %mul3A_19 = arith.mulf %add3A_17, %mul3A_18 : vector<1x64xf32>
      %floor3A = math.floor %mul3A_19 : vector<1x64xf32>
      %iota3A = tpu.iota {dimensions = array<i32: 0>} : vector<64x64xi32>
      %iota3A_20 = tpu.iota {dimensions = array<i32: 1>} : vector<64x64xi32>
      %lt3A = arith.cmpi slt, %iota3A, %iota3A_20 : vector<64x64xi32>
      %convert_element_type3A_21 = arith.extui %lt3A : vector<64x64xi1> to vector<64x64xi32>
      %convert_element_type3A_22 = arith.sitofp %convert_element_type3A_21 : vector<64x64xi32> to vector<64x64xf32>
      %dot_general3A = arith.constant dense<0.000000e+00> : vector<1x64xf32>
      %dot_general3A_23 = tpu.matmul %floor3A, %convert_element_type3A_22, %dot_general3A {dimension_numbers = #tpu.dot_dimension_numbers<[1], [0], [0], [1], [0, 0, 1, 1], [], []>, transpose_lhs_hint = false} : vector<1x64xf32>, vector<64x64xf32>, vector<1x64xf32> -> vector<1x64xf32>
      %mul3A_24 = arith.constant 1.280000e+02 : f32
      %mul3A_25 = vector.broadcast %mul3A_24 : f32 to vector<1x64xf32>
      %mul3A_26 = arith.mulf %dot_general3A_23, %mul3A_25 : vector<1x64xf32>
      %swap3A = arith.constant 0 : index
      %swap3A_27 = arith.constant 0 : index
      %swap3A_28 = vector.load %arg17[%swap3A, %swap3A_27] : memref<1x64xf32, #tpu.memory_space<vmem>>, vector<1x64xf32>
      tpu.vector_store %arg17[%swap3A, %swap3A_27], %mul3A_26 {strides = array<i32>} : memref<1x64xf32, #tpu.memory_space<vmem>>, vector<1x64xf32>,
      %broadcast_in_dim3A = arith.constant 0.000000e+00 : f32
      %broadcast_in_dim3A_29 = vector.broadcast %broadcast_in_dim3A : f32 to vector<1x64xf32>
      %swap3A_30 = arith.constant 0 : index
      %swap3A_31 = arith.constant 0 : index
      %swap3A_32 = vector.load %arg18[%swap3A_30, %swap3A_31] : memref<1x64xf32, #tpu.memory_space<vmem>>, vector<1x64xf32>
      tpu.vector_store %arg18[%swap3A_30, %swap3A_31], %broadcast_in_dim3A_29 {strides = array<i32>} : memref<1x64xf32, #tpu.memory_space<vmem>>, vector<1x64xf32>,
      %reduce_sum3A = arith.constant dense<0.000000e+00> : vector<1xf32>
      %reduce_sum3A_33 = vector.multi_reduction <add>, %floor3A, %reduce_sum3A [1] : vector<1x64xf32> to vector<1xf32>
      %broadcast_in_dim3A_34 = vector.shape_cast %reduce_sum3A_33 : vector<1xf32> to vector<1x1xf32>
      %convert_element_type3A_35 = arith.fptosi %broadcast_in_dim3A_34 : vector<1x1xf32> to vector<1x1xi32>
      %swap3A_36 = arith.constant 0 : index
      %swap3A_37 = arith.constant 0 : index
      %swap3A_38 = vector.load %arg14[%swap3A_36, %swap3A_37] : memref<1x1xi32, #tpu.memory_space<vmem>>, vector<1x1xi32>
      tpu.vector_store %arg14[%swap3A_36, %swap3A_37], %convert_element_type3A_35 {strides = array<i32>} : memref<1x1xi32, #tpu.memory_space<vmem>>, vector<1x1xi32>,
      %iota3A_39 = tpu.iota {dimensions = array<i32: 0>} : vector<96x64xi32>
      %convert_element_type3A_40 = arith.sitofp %iota3A_39 : vector<96x64xi32> to vector<96x64xf32>
      %iota3A_41 = tpu.iota {dimensions = array<i32: 1>} : vector<96x64xi32>
      %convert_element_type3A_42 = arith.sitofp %iota3A_41 : vector<96x64xi32> to vector<96x64xf32>
      %le3A = vector.broadcast %dot_general3A_23 : vector<1x64xf32> to vector<96x64xf32>
      %le3A_43 = arith.cmpf ole, %le3A, %convert_element_type3A_40 : vector<96x64xf32>
      %gt3A = arith.constant 0.000000e+00 : f32
      %gt3A_44 = vector.broadcast %gt3A : f32 to vector<1x64xf32>
      %gt3A_45 = arith.cmpf ogt, %get3A_15, %gt3A_44 : vector<1x64xf32>
      %and3A_46 = vector.broadcast %gt3A_45 : vector<1x64xi1> to vector<96x64xi1>
      %and3A_47 = arith.andi %le3A_43, %and3A_46 : vector<96x64xi1>
      %add3A_48 = arith.constant 1.000000e+00 : f32
      %add3A_49 = vector.broadcast %add3A_48 : f32 to vector<96x64xf32>
      %add3A_50 = arith.addf %convert_element_type3A_42, %add3A_49 : vector<96x64xf32>
      %jit3A = arith.constant 0.000000e+00 : f32
      %broadcast_in_dim3A_51 = vector.broadcast %jit3A : f32 to vector<96x64xf32>
      %select_n3A = arith.select %and3A_47, %add3A_50, %broadcast_in_dim3A_51 : vector<96x64xi1>, vector<96x64xf32>
      %reduce_max3A = arith.constant dense<0xFF800000> : vector<96xf32>
      %reduce_max3A_52 = vector.multi_reduction <maximumf>, %select_n3A, %reduce_max3A [1] : vector<96x64xf32> to vector<96xf32>
      %broadcast_in_dim3A_53 = vector.shape_cast %reduce_max3A_52 : vector<96xf32> to vector<96x1xf32>
      %sub3A = arith.constant 1.000000e+00 : f32
      %sub3A_54 = vector.broadcast %sub3A : f32 to vector<96x1xf32>
      %sub3A_55 = arith.subf %broadcast_in_dim3A_53, %sub3A_54 : vector<96x1xf32>
      %max3A = arith.constant 0.000000e+00 : f32
      %max3A_56 = vector.broadcast %max3A : f32 to vector<96x1xf32>
      %max3A_57 = arith.maximumf %sub3A_55, %max3A_56 : vector<96x1xf32>
      %convert_element_type3A_58 = arith.fptosi %max3A_57 : vector<96x1xf32> to vector<96x1xi32>
      %swap3A_59 = arith.constant 0 : index
      %swap3A_60 = arith.constant 0 : index
      %swap3A_61 = vector.load %arg12[%swap3A_59, %swap3A_60] : memref<96x1xi32, #tpu.memory_space<vmem>>, vector<96x1xi32>
      tpu.vector_store %arg12[%swap3A_59, %swap3A_60], %convert_element_type3A_58 {strides = array<i32>} : memref<96x1xi32, #tpu.memory_space<vmem>>, vector<96x1xi32>,
      %iota3A_62 = tpu.iota {dimensions = array<i32: 0>} : vector<96x1xi32>
      %convert_element_type3A_63 = arith.fptosi %broadcast_in_dim3A_34 : vector<1x1xf32> to vector<1x1xi32>
      %sub3A_64 = arith.constant 1 : i32
      %sub3A_65 = vector.broadcast %sub3A_64 : i32 to vector<1x1xi32>
      %sub3A_66 = arith.subi %convert_element_type3A_63, %sub3A_65 : vector<1x1xi32>
      %min3A = vector.broadcast %sub3A_66 : vector<1x1xi32> to vector<96x1xi32>
      %min3A_67 = arith.minsi %iota3A_62, %min3A : vector<96x1xi32>
      %swap3A_68 = arith.constant 0 : index
      %swap3A_69 = arith.constant 0 : index
      %swap3A_70 = vector.load %arg13[%swap3A_68, %swap3A_69] : memref<96x1xi32, #tpu.memory_space<vmem>>, vector<96x1xi32>
      tpu.vector_store %arg13[%swap3A_68, %swap3A_69], %min3A_67 {strides = array<i32>} : memref<96x1xi32, #tpu.memory_space<vmem>>, vector<96x1xi32>,
    } else {
    }
    %eq3A_9 = arith.constant 1 : i32
    %eq3A_10 = arith.cmpi eq, %arg0, %eq3A_9 : i32
    %convert_element_type3A_11 = arith.extui %eq3A_10 : i1 to i32
    %cond3A_12 = arith.constant 0 : i32
    %cond3A_13 = arith.cmpi ne, %convert_element_type3A_11, %cond3A_12 : i32
    scf.if %cond3A_13 {
      %mul3A = arith.constant 256 : i32
      %mul3A_14 = arith.muli %arg1, %mul3A : i32
      %get3A = arith.index_cast %mul3A_14 : i32 to index
      %get3A_15 = arith.constant 0 : index
      %get3A_16 = vector.load %arg15[%get3A, %get3A_15] : memref<2048x2xi32, #tpu.memory_space<vmem>>, vector<256x2xi32>
      %slice3A = vector.extract_strided_slice %get3A_16 {offsets = [0, 0], sizes = [256, 1], strides = [1, 1]} : vector<256x2xi32> to vector<256x1xi32>
      %slice3A_17 = vector.extract_strided_slice %get3A_16 {offsets = [0, 1], sizes = [256, 1], strides = [1, 1]} : vector<256x2xi32> to vector<256x1xi32>
      %iota3A = tpu.iota {dimensions = array<i32: 1>} : vector<256x64xi32>
      %eq3A_18 = vector.broadcast %slice3A : vector<256x1xi32> to vector<256x64xi32>
      %eq3A_19 = arith.cmpi eq, %iota3A, %eq3A_18 : vector<256x64xi32>
      %convert_element_type3A_20 = arith.extui %eq3A_19 : vector<256x64xi1> to vector<256x64xi32>
      %convert_element_type3A_21 = arith.sitofp %convert_element_type3A_20 : vector<256x64xi32> to vector<256x64xf32>
      %eq3A_22 = vector.broadcast %slice3A_17 : vector<256x1xi32> to vector<256x64xi32>
      %eq3A_23 = arith.cmpi eq, %iota3A, %eq3A_22 : vector<256x64xi32>
      %convert_element_type3A_24 = arith.extui %eq3A_23 : vector<256x64xi1> to vector<256x64xi32>
      %convert_element_type3A_25 = arith.sitofp %convert_element_type3A_24 : vector<256x64xi32> to vector<256x64xf32>
      %add3A = arith.addf %convert_element_type3A_21, %convert_element_type3A_25 : vector<256x64xf32>
      %iota3A_26 = tpu.iota {dimensions = array<i32: 0>} : vector<256x256xi32>
      %iota3A_27 = tpu.iota {dimensions = array<i32: 1>} : vector<256x256xi32>
      %le3A = arith.cmpi sle, %iota3A_27, %iota3A_26 : vector<256x256xi32>
      %convert_element_type3A_28 = arith.extui %le3A : vector<256x256xi1> to vector<256x256xi32>
      %convert_element_type3A_29 = arith.sitofp %convert_element_type3A_28 : vector<256x256xi32> to vector<256x256xf32>
      %dot_general3A = arith.constant dense<0.000000e+00> : vector<256x64xf32>
      %dot_general3A_30 = tpu.matmul %convert_element_type3A_29, %add3A, %dot_general3A {dimension_numbers = #tpu.dot_dimension_numbers<[1], [0], [0], [1], [0, 0, 1, 1], [], []>, transpose_lhs_hint = false} : vector<256x256xf32>, vector<256x64xf32>, vector<256x64xf32> -> vector<256x64xf32>
      %get3A_31 = arith.constant 0 : index
      %get3A_32 = arith.constant 0 : index
      %get3A_33 = vector.load %arg17[%get3A_31, %get3A_32] : memref<1x64xf32, #tpu.memory_space<vmem>>, vector<1x64xf32>
      %get3A_34 = arith.constant 0 : index
      %get3A_35 = arith.constant 0 : index
      %get3A_36 = vector.load %arg18[%get3A_34, %get3A_35] : memref<1x64xf32, #tpu.memory_space<vmem>>, vector<1x64xf32>
      %add3A_37 = arith.addf %get3A_33, %get3A_36 : vector<1x64xf32>
      %add3A_38 = vector.broadcast %add3A_37 : vector<1x64xf32> to vector<256x64xf32>
      %add3A_39 = arith.addf %add3A_38, %dot_general3A_30 : vector<256x64xf32>
      %sub3A = arith.subf %add3A_39, %add3A : vector<256x64xf32>
      %mul3A_40 = arith.mulf %convert_element_type3A_21, %sub3A : vector<256x64xf32>
      %reduce_sum3A = arith.constant dense<0.000000e+00> : vector<256xf32>
      %reduce_sum3A_41 = vector.multi_reduction <add>, %mul3A_40, %reduce_sum3A [1] : vector<256x64xf32> to vector<256xf32>
      %broadcast_in_dim3A = vector.shape_cast %reduce_sum3A_41 : vector<256xf32> to vector<256x1xf32>
      %mul3A_42 = arith.mulf %convert_element_type3A_25, %sub3A : vector<256x64xf32>
      %reduce_sum3A_43 = arith.constant dense<0.000000e+00> : vector<256xf32>
      %reduce_sum3A_44 = vector.multi_reduction <add>, %mul3A_42, %reduce_sum3A_43 [1] : vector<256x64xf32> to vector<256xf32>
      %broadcast_in_dim3A_45 = vector.shape_cast %reduce_sum3A_44 : vector<256xf32> to vector<256x1xf32>
      %concatenate3A = tpu.concatenate %broadcast_in_dim3A, %broadcast_in_dim3A_45 in 1 : vector<256x1xf32>, vector<256x1xf32> -> vector<256x2xf32>
      %convert_element_type3A_46 = arith.fptosi %concatenate3A : vector<256x2xf32> to vector<256x2xi32>
      %swap3A = arith.constant 0 : index
      %swap3A_47 = arith.constant 0 : index
      %swap3A_48 = vector.load %arg11[%swap3A, %swap3A_47] : memref<256x2xi32, #tpu.memory_space<vmem>>, vector<256x2xi32>
      tpu.vector_store %arg11[%swap3A, %swap3A_47], %convert_element_type3A_46 {strides = array<i32>} : memref<256x2xi32, #tpu.memory_space<vmem>>, vector<256x2xi32>,
      %get3A_49 = arith.constant 0 : index
      %get3A_50 = arith.constant 0 : index
      %get3A_51 = vector.load %arg18[%get3A_49, %get3A_50] : memref<1x64xf32, #tpu.memory_space<vmem>>, vector<1x64xf32>
      %reduce_sum3A_52 = arith.constant dense<0.000000e+00> : vector<64xf32>
      %reduce_sum3A_53 = vector.multi_reduction <add>, %add3A, %reduce_sum3A_52 [0] : vector<256x64xf32> to vector<64xf32>
      %broadcast_in_dim3A_54 = vector.shape_cast %reduce_sum3A_53 : vector<64xf32> to vector<1x64xf32>
      %add3A_55 = arith.addf %get3A_51, %broadcast_in_dim3A_54 : vector<1x64xf32>
      %swap3A_56 = arith.constant 0 : index
      %swap3A_57 = arith.constant 0 : index
      %swap3A_58 = vector.load %arg18[%swap3A_56, %swap3A_57] : memref<1x64xf32, #tpu.memory_space<vmem>>, vector<1x64xf32>
      tpu.vector_store %arg18[%swap3A_56, %swap3A_57], %add3A_55 {strides = array<i32>} : memref<1x64xf32, #tpu.memory_space<vmem>>, vector<1x64xf32>,
    } else {
    }
    return
  }
  func.func @transform_0(%arg0: i32, %arg1: i32) -> (i32, i32) {
    %eq3A = arith.constant 0 : i32
    %eq3A_0 = arith.cmpi eq, %arg0, %eq3A : i32
    %jit3A = arith.constant 7 : i32
    %select_n3A = arith.select %eq3A_0, %arg1, %jit3A : i32
    %c0_i32 = arith.constant 0 : i32
    %c0_i32_1 = arith.constant 0 : i32
    return %select_n3A, %c0_i32 : i32, i32
  }
  func.func @transform_1(%arg0: i32, %arg1: i32) -> (i32, i32, i32) {
    %eq3A = arith.constant 0 : i32
    %eq3A_0 = arith.cmpi eq, %arg0, %eq3A : i32
    %jit3A = arith.constant 7 : i32
    %select_n3A = arith.select %eq3A_0, %arg1, %jit3A : i32
    %c0_i32 = arith.constant 0 : i32
    %c0_i32_1 = arith.constant 0 : i32
    %c0_i32_2 = arith.constant 0 : i32
    return %c0_i32, %select_n3A, %c0_i32_1 : i32, i32, i32
  }
  func.func @transform_2(%arg0: i32, %arg1: i32) -> (i32, i32) {
    %c0_i32 = arith.constant 0 : i32
    %c0_i32_0 = arith.constant 0 : i32
    %c0_i32_1 = arith.constant 0 : i32
    return %c0_i32, %c0_i32_0 : i32, i32
  }
  func.func @transform_3(%arg0: i32, %arg1: i32) -> (i32, i32) {
    %c0_i32 = arith.constant 0 : i32
    %c0_i32_0 = arith.constant 0 : i32
    %c0_i32_1 = arith.constant 0 : i32
    return %c0_i32, %c0_i32_0 : i32, i32
  }
  func.func @transform_4(%arg0: i32, %arg1: i32) -> (i32, i32) {
    %c0_i32 = arith.constant 0 : i32
    %c0_i32_0 = arith.constant 0 : i32
    %c0_i32_1 = arith.constant 0 : i32
    return %c0_i32, %c0_i32_0 : i32, i32
  }
  func.func @transform_5(%arg0: i32, %arg1: i32) -> (i32, i32) {
    %c0_i32 = arith.constant 0 : i32
    %c0_i32_0 = arith.constant 0 : i32
    %c0_i32_1 = arith.constant 0 : i32
    return %c0_i32, %c0_i32_0 : i32, i32
  }
  func.func @transform_6(%arg0: i32, %arg1: i32) -> (i32, i32) {
    %eq3A = arith.constant 0 : i32
    %eq3A_0 = arith.cmpi eq, %arg0, %eq3A : i32
    %jit3A = arith.constant 7 : i32
    %select_n3A = arith.select %eq3A_0, %arg1, %jit3A : i32
    %c0_i32 = arith.constant 0 : i32
    %c0_i32_1 = arith.constant 0 : i32
    return %select_n3A, %c0_i32 : i32, i32
  }
  func.func @transform_7(%arg0: i32, %arg1: i32) -> (i32, i32) {
    %eq3A = arith.constant 0 : i32
    %eq3A_0 = arith.cmpi eq, %arg0, %eq3A : i32
    %jit3A = arith.constant 7 : i32
    %select_n3A = arith.select %eq3A_0, %arg1, %jit3A : i32
    %c0_i32 = arith.constant 0 : i32
    %c0_i32_1 = arith.constant 0 : i32
    return %select_n3A, %c0_i32 : i32, i32
  }
  func.func @transform_8(%arg0: i32, %arg1: i32) -> (i32, i32) {
    %eq3A = arith.constant 0 : i32
    %eq3A_0 = arith.cmpi eq, %arg0, %eq3A : i32
    %jit3A = arith.constant 7 : i32
    %select_n3A = arith.select %eq3A_0, %arg1, %jit3A : i32
    %c0_i32 = arith.constant 0 : i32
    %c0_i32_1 = arith.constant 0 : i32
    return %select_n3A, %c0_i32 : i32, i32
  }
  func.func @transform_9(%arg0: i32, %arg1: i32) -> (i32, i32) {
    %c0_i32 = arith.constant 0 : i32
    %c0_i32_0 = arith.constant 0 : i32
    return %arg1, %c0_i32 : i32, i32
  }
  func.func @transform_10(%arg0: i32, %arg1: i32) -> (i32, i32) {
    %c0_i32 = arith.constant 0 : i32
    %c0_i32_0 = arith.constant 0 : i32
    %c0_i32_1 = arith.constant 0 : i32
    return %c0_i32, %c0_i32_0 : i32, i32
  }
  func.func @transform_11(%arg0: i32, %arg1: i32) -> (i32, i32) {
    %c0_i32 = arith.constant 0 : i32
    %c0_i32_0 = arith.constant 0 : i32
    %c0_i32_1 = arith.constant 0 : i32
    return %c0_i32, %c0_i32_0 : i32, i32
  }
  func.func @transform_12(%arg0: i32, %arg1: i32) -> (i32, i32) {
    %c0_i32 = arith.constant 0 : i32
    %c0_i32_0 = arith.constant 0 : i32
    %c0_i32_1 = arith.constant 0 : i32
    return %c0_i32, %c0_i32_0 : i32, i32
  }
}

module attributes {stable_mosaic.version = 14 : i64} {
  func.func @_attn_body(%arg0: i32, %arg1: i32, %arg2: memref<512x128xf32, #tpu.memory_space<vmem>>, %arg3: memref<2048x128xf32, #tpu.memory_space<vmem>>, %arg4: memref<2048x128xf32, #tpu.memory_space<vmem>>, %arg5: memref<512x128xf32, #tpu.memory_space<vmem>>) attributes {dimension_semantics = [#tpu.dimension_semantics<arbitrary>, #tpu.dimension_semantics<arbitrary>], iteration_bounds = array<i64: 6, 4>, scalar_prefetch = 0 : i64, scratch_operands = 0 : i64, tpu.core_type = #tpu.core_type<tc>, window_params = [{transform_indices = @transform_0, window_bounds = array<i64: 512, 128>}, {transform_indices = @transform_1, window_bounds = array<i64: 2048, 128>}, {transform_indices = @transform_2, window_bounds = array<i64: 2048, 128>}, {transform_indices = @transform_3, window_bounds = array<i64: 512, 128>}]} {
    %get3A = arith.constant 0 : index
    %get3A_0 = arith.constant 0 : index
    %get3A_1 = vector.load %arg2[%get3A, %get3A_0] : memref<512x128xf32, #tpu.memory_space<vmem>>, vector<512x128xf32>
    %get3A_2 = arith.constant 0 : index
    %get3A_3 = arith.constant 0 : index
    %get3A_4 = vector.load %arg3[%get3A_2, %get3A_3] : memref<2048x128xf32, #tpu.memory_space<vmem>>, vector<2048x128xf32>
    %get3A_5 = arith.constant 0 : index
    %get3A_6 = arith.constant 0 : index
    %get3A_7 = vector.load %arg4[%get3A_5, %get3A_6] : memref<2048x128xf32, #tpu.memory_space<vmem>>, vector<2048x128xf32>
    %slice3A = vector.extract_strided_slice %get3A_1 {offsets = [0, 0], sizes = [512, 64], strides = [1, 1]} : vector<512x128xf32> to vector<512x64xf32>
    %slice3A_8 = vector.extract_strided_slice %get3A_4 {offsets = [0, 0], sizes = [2048, 64], strides = [1, 1]} : vector<2048x128xf32> to vector<2048x64xf32>
    %dot_general3A = arith.constant dense<0.000000e+00> : vector<512x2048xf32>
    %dot_general3A_9 = tpu.matmul %slice3A, %slice3A_8, %dot_general3A {dimension_numbers = #tpu.dot_dimension_numbers<[1], [1], [0], [0], [0, 0, 1, 0], [], []>, transpose_lhs_hint = false} : vector<512x64xf32>, vector<2048x64xf32>, vector<512x2048xf32> -> vector<512x2048xf32>
    %exp3A = math.exp %dot_general3A_9 : vector<512x2048xf32>
    %reduce_sum3A = arith.constant dense<0.000000e+00> : vector<512xf32>
    %reduce_sum3A_10 = vector.multi_reduction <add>, %exp3A, %reduce_sum3A [1] : vector<512x2048xf32> to vector<512xf32>
    %broadcast_in_dim3A = vector.shape_cast %reduce_sum3A_10 : vector<512xf32> to vector<512x1xf32>
    %slice3A_11 = vector.extract_strided_slice %get3A_7 {offsets = [0, 0], sizes = [2048, 64], strides = [1, 1]} : vector<2048x128xf32> to vector<2048x64xf32>
    %dot_general3A_12 = arith.constant dense<0.000000e+00> : vector<512x64xf32>
    %dot_general3A_13 = tpu.matmul %exp3A, %slice3A_11, %dot_general3A_12 {dimension_numbers = #tpu.dot_dimension_numbers<[1], [0], [0], [1], [0, 0, 1, 1], [], []>, transpose_lhs_hint = false} : vector<512x2048xf32>, vector<2048x64xf32>, vector<512x64xf32> -> vector<512x64xf32>
    %div3A = vector.broadcast %broadcast_in_dim3A : vector<512x1xf32> to vector<512x64xf32>
    %div3A_14 = arith.divf %dot_general3A_13, %div3A : vector<512x64xf32>
    %swap3A = arith.constant 0 : index
    %swap3A_15 = arith.constant 0 : index
    %swap3A_16 = vector.load %arg5[%swap3A, %swap3A_15] : memref<512x128xf32, #tpu.memory_space<vmem>>, vector<512x64xf32>
    tpu.vector_store %arg5[%swap3A, %swap3A_15], %div3A_14 {strides = array<i32>} : memref<512x128xf32, #tpu.memory_space<vmem>>, vector<512x64xf32>,
    %slice3A_17 = vector.extract_strided_slice %get3A_1 {offsets = [0, 64], sizes = [512, 64], strides = [1, 1]} : vector<512x128xf32> to vector<512x64xf32>
    %slice3A_18 = vector.extract_strided_slice %get3A_4 {offsets = [0, 64], sizes = [2048, 64], strides = [1, 1]} : vector<2048x128xf32> to vector<2048x64xf32>
    %dot_general3A_19 = arith.constant dense<0.000000e+00> : vector<512x2048xf32>
    %dot_general3A_20 = tpu.matmul %slice3A_17, %slice3A_18, %dot_general3A_19 {dimension_numbers = #tpu.dot_dimension_numbers<[1], [1], [0], [0], [0, 0, 1, 0], [], []>, transpose_lhs_hint = false} : vector<512x64xf32>, vector<2048x64xf32>, vector<512x2048xf32> -> vector<512x2048xf32>
    %exp3A_21 = math.exp %dot_general3A_20 : vector<512x2048xf32>
    %reduce_sum3A_22 = arith.constant dense<0.000000e+00> : vector<512xf32>
    %reduce_sum3A_23 = vector.multi_reduction <add>, %exp3A_21, %reduce_sum3A_22 [1] : vector<512x2048xf32> to vector<512xf32>
    %broadcast_in_dim3A_24 = vector.shape_cast %reduce_sum3A_23 : vector<512xf32> to vector<512x1xf32>
    %slice3A_25 = vector.extract_strided_slice %get3A_7 {offsets = [0, 64], sizes = [2048, 64], strides = [1, 1]} : vector<2048x128xf32> to vector<2048x64xf32>
    %dot_general3A_26 = arith.constant dense<0.000000e+00> : vector<512x64xf32>
    %dot_general3A_27 = tpu.matmul %exp3A_21, %slice3A_25, %dot_general3A_26 {dimension_numbers = #tpu.dot_dimension_numbers<[1], [0], [0], [1], [0, 0, 1, 1], [], []>, transpose_lhs_hint = false} : vector<512x2048xf32>, vector<2048x64xf32>, vector<512x64xf32> -> vector<512x64xf32>
    %div3A_28 = vector.broadcast %broadcast_in_dim3A_24 : vector<512x1xf32> to vector<512x64xf32>
    %div3A_29 = arith.divf %dot_general3A_27, %div3A_28 : vector<512x64xf32>
    %swap3A_30 = arith.constant 0 : index
    %swap3A_31 = arith.constant 64 : index
    %swap3A_32 = vector.load %arg5[%swap3A_30, %swap3A_31] : memref<512x128xf32, #tpu.memory_space<vmem>>, vector<512x64xf32>
    tpu.vector_store %arg5[%swap3A_30, %swap3A_31], %div3A_29 {strides = array<i32>} : memref<512x128xf32, #tpu.memory_space<vmem>>, vector<512x64xf32>,
    return
  }
  func.func @transform_0(%arg0: i32, %arg1: i32) -> (i32, i32) {
    %c0_i32 = arith.constant 0 : i32
    return %arg1, %arg0 : i32, i32
  }
  func.func @transform_1(%arg0: i32, %arg1: i32) -> (i32, i32) {
    %c0_i32 = arith.constant 0 : i32
    %c0_i32_0 = arith.constant 0 : i32
    return %c0_i32, %arg0 : i32, i32
  }
  func.func @transform_2(%arg0: i32, %arg1: i32) -> (i32, i32) {
    %c0_i32 = arith.constant 0 : i32
    %c0_i32_0 = arith.constant 0 : i32
    return %c0_i32, %arg0 : i32, i32
  }
  func.func @transform_3(%arg0: i32, %arg1: i32) -> (i32, i32) {
    %c0_i32 = arith.constant 0 : i32
    return %arg1, %arg0 : i32, i32
  }
}

module attributes {stable_mosaic.version = 14 : i64} {
  func.func @_ffn_body(%arg0: i32, %arg1: memref<193xi32, #tpu.memory_space<smem>>, %arg2: memref<128x768xf32, #tpu.memory_space<vmem>>, %arg3: memref<1x768x768xf32, #tpu.memory_space<vmem>>, %arg4: memref<1x1x768xf32, #tpu.memory_space<vmem>>, %arg5: memref<1x768x768xf32, #tpu.memory_space<vmem>>, %arg6: memref<1x1x768xf32, #tpu.memory_space<vmem>>, %arg7: memref<128x768xf32, #tpu.memory_space<vmem>>) attributes {dimension_semantics = [#tpu.dimension_semantics<arbitrary>], iteration_bounds = array<i64: 96>, scalar_prefetch = 1 : i64, scratch_operands = 0 : i64, tpu.core_type = #tpu.core_type<tc>, window_params = [{transform_indices = @transform_0, window_bounds = array<i64: 128, 768>}, {transform_indices = @transform_1, window_bounds = array<i64: 1, 768, 768>}, {transform_indices = @transform_2, window_bounds = array<i64: 1, 1, 768>}, {transform_indices = @transform_3, window_bounds = array<i64: 1, 768, 768>}, {transform_indices = @transform_4, window_bounds = array<i64: 1, 1, 768>}, {transform_indices = @transform_5, window_bounds = array<i64: 128, 768>}]} {
    %get3A = arith.constant 192 : index
    %get3A_0 = memref.load %arg1[%get3A] : memref<193xi32, #tpu.memory_space<smem>>
    %lt3A = arith.cmpi slt, %arg0, %get3A_0 : i32
    %convert_element_type3A = arith.extui %lt3A : i1 to i32
    %cond3A = arith.constant 0 : i32
    %cond3A_1 = arith.cmpi ne, %convert_element_type3A, %cond3A : i32
    scf.if %cond3A_1 {
      %get3A_2 = arith.constant 0 : index
      %get3A_3 = arith.constant 0 : index
      %get3A_4 = vector.load %arg2[%get3A_2, %get3A_3] : memref<128x768xf32, #tpu.memory_space<vmem>>, vector<128x768xf32>
      %convert_element_type3A_5 = arith.truncf %get3A_4 : vector<128x768xf32> to vector<128x768xbf16>
      %get3A_6 = arith.constant 0 : index
      %get3A_7 = arith.constant 0 : index
      %get3A_8 = arith.constant 0 : index
      %get3A_9 = vector.load %arg3[%get3A_6, %get3A_7, %get3A_8] : memref<1x768x768xf32, #tpu.memory_space<vmem>>, vector<1x768x768xf32>
      %get3A_10 = vector.shape_cast %get3A_9 : vector<1x768x768xf32> to vector<768x768xf32>
      %convert_element_type3A_11 = arith.truncf %get3A_10 : vector<768x768xf32> to vector<768x768xbf16>
      %dot_general3A = arith.constant dense<0.000000e+00> : vector<128x768xf32>
      %dot_general3A_12 = tpu.matmul %convert_element_type3A_5, %convert_element_type3A_11, %dot_general3A {dimension_numbers = #tpu.dot_dimension_numbers<[1], [0], [0], [1], [0, 0, 1, 1], [], []>, transpose_lhs_hint = false} : vector<128x768xbf16>, vector<768x768xbf16>, vector<128x768xf32> -> vector<128x768xf32>
      %get3A_13 = arith.constant 0 : index
      %get3A_14 = arith.constant 0 : index
      %get3A_15 = arith.constant 0 : index
      %get3A_16 = vector.load %arg4[%get3A_13, %get3A_14, %get3A_15] : memref<1x1x768xf32, #tpu.memory_space<vmem>>, vector<1x1x768xf32>
      %get3A_17 = vector.shape_cast %get3A_16 : vector<1x1x768xf32> to vector<1x768xf32>
      %add3A = vector.broadcast %get3A_17 : vector<1x768xf32> to vector<128x768xf32>
      %add3A_18 = arith.addf %dot_general3A_12, %add3A : vector<128x768xf32>
      %max3A = arith.constant 0.000000e+00 : f32
      %max3A_19 = vector.broadcast %max3A : f32 to vector<128x768xf32>
      %max3A_20 = arith.maximumf %add3A_18, %max3A_19 : vector<128x768xf32>
      %convert_element_type3A_21 = arith.truncf %max3A_20 : vector<128x768xf32> to vector<128x768xbf16>
      %get3A_22 = arith.constant 0 : index
      %get3A_23 = arith.constant 0 : index
      %get3A_24 = arith.constant 0 : index
      %get3A_25 = vector.load %arg5[%get3A_22, %get3A_23, %get3A_24] : memref<1x768x768xf32, #tpu.memory_space<vmem>>, vector<1x768x768xf32>
      %get3A_26 = vector.shape_cast %get3A_25 : vector<1x768x768xf32> to vector<768x768xf32>
      %convert_element_type3A_27 = arith.truncf %get3A_26 : vector<768x768xf32> to vector<768x768xbf16>
      %dot_general3A_28 = arith.constant dense<0.000000e+00> : vector<128x768xf32>
      %dot_general3A_29 = tpu.matmul %convert_element_type3A_21, %convert_element_type3A_27, %dot_general3A_28 {dimension_numbers = #tpu.dot_dimension_numbers<[1], [0], [0], [1], [0, 0, 1, 1], [], []>, transpose_lhs_hint = false} : vector<128x768xbf16>, vector<768x768xbf16>, vector<128x768xf32> -> vector<128x768xf32>
      %get3A_30 = arith.constant 0 : index
      %get3A_31 = arith.constant 0 : index
      %get3A_32 = arith.constant 0 : index
      %get3A_33 = vector.load %arg6[%get3A_30, %get3A_31, %get3A_32] : memref<1x1x768xf32, #tpu.memory_space<vmem>>, vector<1x1x768xf32>
      %get3A_34 = vector.shape_cast %get3A_33 : vector<1x1x768xf32> to vector<1x768xf32>
      %add3A_35 = vector.broadcast %get3A_34 : vector<1x768xf32> to vector<128x768xf32>
      %add3A_36 = arith.addf %dot_general3A_29, %add3A_35 : vector<128x768xf32>
      %swap3A = arith.constant 0 : index
      %swap3A_37 = arith.constant 0 : index
      %swap3A_38 = vector.load %arg7[%swap3A, %swap3A_37] : memref<128x768xf32, #tpu.memory_space<vmem>>, vector<128x768xf32>
      tpu.vector_store %arg7[%swap3A, %swap3A_37], %add3A_36 {strides = array<i32>} : memref<128x768xf32, #tpu.memory_space<vmem>>, vector<128x768xf32>,
    } else {
    }
    return
  }
  func.func @transform_0(%arg0: i32, %arg1: memref<193xi32, #tpu.memory_space<smem>>) -> (i32, i32) {
    %add3A = arith.constant 96 : i32
    %add3A_0 = arith.addi %add3A, %arg0 : i32
    %get3A = arith.index_cast %add3A_0 : i32 to index
    %get3A_1 = memref.load %arg1[%get3A] : memref<193xi32, #tpu.memory_space<smem>>
    %c0_i32 = arith.constant 0 : i32
    %c0_i32_2 = arith.constant 0 : i32
    return %get3A_1, %c0_i32 : i32, i32
  }
  func.func @transform_1(%arg0: i32, %arg1: memref<193xi32, #tpu.memory_space<smem>>) -> (i32, i32, i32) {
    %get3A = arith.index_cast %arg0 : i32 to index
    %get3A_0 = memref.load %arg1[%get3A] : memref<193xi32, #tpu.memory_space<smem>>
    %c0_i32 = arith.constant 0 : i32
    %c0_i32_1 = arith.constant 0 : i32
    %c0_i32_2 = arith.constant 0 : i32
    return %get3A_0, %c0_i32, %c0_i32_1 : i32, i32, i32
  }
  func.func @transform_2(%arg0: i32, %arg1: memref<193xi32, #tpu.memory_space<smem>>) -> (i32, i32, i32) {
    %get3A = arith.index_cast %arg0 : i32 to index
    %get3A_0 = memref.load %arg1[%get3A] : memref<193xi32, #tpu.memory_space<smem>>
    %c0_i32 = arith.constant 0 : i32
    %c0_i32_1 = arith.constant 0 : i32
    %c0_i32_2 = arith.constant 0 : i32
    return %get3A_0, %c0_i32, %c0_i32_1 : i32, i32, i32
  }
  func.func @transform_3(%arg0: i32, %arg1: memref<193xi32, #tpu.memory_space<smem>>) -> (i32, i32, i32) {
    %get3A = arith.index_cast %arg0 : i32 to index
    %get3A_0 = memref.load %arg1[%get3A] : memref<193xi32, #tpu.memory_space<smem>>
    %c0_i32 = arith.constant 0 : i32
    %c0_i32_1 = arith.constant 0 : i32
    %c0_i32_2 = arith.constant 0 : i32
    return %get3A_0, %c0_i32, %c0_i32_1 : i32, i32, i32
  }
  func.func @transform_4(%arg0: i32, %arg1: memref<193xi32, #tpu.memory_space<smem>>) -> (i32, i32, i32) {
    %get3A = arith.index_cast %arg0 : i32 to index
    %get3A_0 = memref.load %arg1[%get3A] : memref<193xi32, #tpu.memory_space<smem>>
    %c0_i32 = arith.constant 0 : i32
    %c0_i32_1 = arith.constant 0 : i32
    %c0_i32_2 = arith.constant 0 : i32
    return %get3A_0, %c0_i32, %c0_i32_1 : i32, i32, i32
  }
  func.func @transform_5(%arg0: i32, %arg1: memref<193xi32, #tpu.memory_space<smem>>) -> (i32, i32) {
    %add3A = arith.constant 96 : i32
    %add3A_0 = arith.addi %add3A, %arg0 : i32
    %get3A = arith.index_cast %add3A_0 : i32 to index
    %get3A_1 = memref.load %arg1[%get3A] : memref<193xi32, #tpu.memory_space<smem>>
    %c0_i32 = arith.constant 0 : i32
    %c0_i32_2 = arith.constant 0 : i32
    return %get3A_1, %c0_i32 : i32, i32
  }
}

module attributes {stable_mosaic.version = 14 : i64} {
  func.func @_combine_body(%arg0: i32, %arg1: memref<256x768xf32, #tpu.memory_space<vmem>>, %arg2: memref<256x768xf32, #tpu.memory_space<vmem>>, %arg3: memref<256x768xf32, #tpu.memory_space<vmem>>, %arg4: memref<256x2xf32, #tpu.memory_space<vmem>>, %arg5: memref<1x256x768xf32, #tpu.memory_space<vmem>>) attributes {dimension_semantics = [#tpu.dimension_semantics<arbitrary>], iteration_bounds = array<i64: 8>, scalar_prefetch = 0 : i64, scratch_operands = 0 : i64, tpu.core_type = #tpu.core_type<tc>, window_params = [{transform_indices = @transform_0, window_bounds = array<i64: 256, 768>}, {transform_indices = @transform_1, window_bounds = array<i64: 256, 768>}, {transform_indices = @transform_2, window_bounds = array<i64: 256, 768>}, {transform_indices = @transform_3, window_bounds = array<i64: 256, 2>}, {transform_indices = @transform_4, window_bounds = array<i64: 1, 256, 768>}]} {
    %get3A = arith.constant 0 : index
    %get3A_0 = arith.constant 0 : index
    %get3A_1 = vector.load %arg4[%get3A, %get3A_0] : memref<256x2xf32, #tpu.memory_space<vmem>>, vector<256x2xf32>
    %get3A_2 = arith.constant 0 : index
    %get3A_3 = arith.constant 0 : index
    %get3A_4 = vector.load %arg1[%get3A_2, %get3A_3] : memref<256x768xf32, #tpu.memory_space<vmem>>, vector<256x768xf32>
    %get3A_5 = arith.constant 0 : index
    %get3A_6 = arith.constant 0 : index
    %get3A_7 = vector.load %arg2[%get3A_5, %get3A_6] : memref<256x768xf32, #tpu.memory_space<vmem>>, vector<256x768xf32>
    %slice3A = vector.extract_strided_slice %get3A_1 {offsets = [0, 0], sizes = [256, 1], strides = [1, 1]} : vector<256x2xf32> to vector<256x1xf32>
    %mul3A = vector.broadcast %slice3A : vector<256x1xf32> to vector<256x768xf32>
    %mul3A_8 = arith.mulf %get3A_7, %mul3A : vector<256x768xf32>
    %add3A = arith.addf %get3A_4, %mul3A_8 : vector<256x768xf32>
    %get3A_9 = arith.constant 0 : index
    %get3A_10 = arith.constant 0 : index
    %get3A_11 = vector.load %arg3[%get3A_9, %get3A_10] : memref<256x768xf32, #tpu.memory_space<vmem>>, vector<256x768xf32>
    %slice3A_12 = vector.extract_strided_slice %get3A_1 {offsets = [0, 1], sizes = [256, 1], strides = [1, 1]} : vector<256x2xf32> to vector<256x1xf32>
    %mul3A_13 = vector.broadcast %slice3A_12 : vector<256x1xf32> to vector<256x768xf32>
    %mul3A_14 = arith.mulf %get3A_11, %mul3A_13 : vector<256x768xf32>
    %add3A_15 = arith.addf %add3A, %mul3A_14 : vector<256x768xf32>
    %swap3A = arith.constant 0 : index
    %swap3A_16 = arith.constant 0 : index
    %swap3A_17 = arith.constant 0 : index
    %swap3A_18 = vector.load %arg5[%swap3A, %swap3A_16, %swap3A_17] : memref<1x256x768xf32, #tpu.memory_space<vmem>>, vector<1x256x768xf32>
    %swap3A_19 = vector.shape_cast %swap3A_18 : vector<1x256x768xf32> to vector<256x768xf32>
    %swap3A_20 = vector.shape_cast %add3A_15 : vector<256x768xf32> to vector<1x256x768xf32>
    tpu.vector_store %arg5[%swap3A, %swap3A_16, %swap3A_17], %swap3A_20 {strides = array<i32>} : memref<1x256x768xf32, #tpu.memory_space<vmem>>, vector<1x256x768xf32>,
    return
  }
  func.func @transform_0(%arg0: i32) -> (i32, i32) {
    %c0_i32 = arith.constant 0 : i32
    %c0_i32_0 = arith.constant 0 : i32
    return %arg0, %c0_i32 : i32, i32
  }
  func.func @transform_1(%arg0: i32) -> (i32, i32) {
    %c0_i32 = arith.constant 0 : i32
    %c0_i32_0 = arith.constant 0 : i32
    return %arg0, %c0_i32 : i32, i32
  }
  func.func @transform_2(%arg0: i32) -> (i32, i32) {
    %add3A = arith.constant 8 : i32
    %add3A_0 = arith.addi %arg0, %add3A : i32
    %c0_i32 = arith.constant 0 : i32
    %c0_i32_1 = arith.constant 0 : i32
    return %add3A_0, %c0_i32 : i32, i32
  }
  func.func @transform_3(%arg0: i32) -> (i32, i32) {
    %c0_i32 = arith.constant 0 : i32
    %c0_i32_0 = arith.constant 0 : i32
    return %arg0, %c0_i32 : i32, i32
  }
  func.func @transform_4(%arg0: i32) -> (i32, i32, i32) {
    %c0_i32 = arith.constant 0 : i32
    %c0_i32_0 = arith.constant 0 : i32
    %c0_i32_1 = arith.constant 0 : i32
    return %c0_i32, %arg0, %c0_i32_0 : i32, i32, i32
  }
}

</mosaic_0001>

<sc_bundles>
// kernel: kernel.12.cloned.1.call-start
scs
__scs_entry_jumppad:
0x0: {  	(pc) =	sbr.rel $0x88, $3  }
0x1: {  	(tag) =	ssettag $0x0;
	lr =	simm.s32 $0x1  }
0x2: {  	[smem:$0x3F8E] =	sst lr;
	_ =	strace $0xD0000000  }
0x3: {  	_ = 	snop  }
0x4: {  	_ = 	snop  }
0x5: {  	_ = 	snop  }
0x6: {  	_ = 	snop  }
0x7: {  	_ = 	snop  }
__scs_overlays_trampoline_lowered:
0x8: {  	[smem:$0x3F9D] =	sst s0  }
0x9: {  	[smem:$0x3F9E] =	sst s1  }
0xa: {  	[smem:$0x3F9F] =	sst s2  }
0xb: {  	[smem:$0x3FA0] =	sst s3  }
0xc: {  	[smem:$0x3FA1] =	sst s4  }
0xd: {  	[smem:$0x3FA2] =	sst s5  }
0xe: {  	[smem:$0x3FA3] =	sst s6  }
0xf: {  	[smem:$0x3FA4] =	sst s7  }
0x10: {  	[smem:$0x3FA5] =	sst s8  }
0x11: {  	[smem:$0x3FA6] =	sst s9;
	s0 =	simm.s32 @!p0 $0x0  }
0x12: {  	s1 =	sld [smem:$0x3F8C];
	s0 =	simm.s32 @p0 $0x1  }
0x13: {  	[smem:$0x3FA7] =	sst s0;
	s0 =	simm.s32 @!p1 $0x0  }
0x14: {  	s2 =	sld [smem:$0x3F8B];
	s0 =	simm.s32 @p1 $0x1  }
0x15: {  	[smem:$0x3FA8] =	sst s0;
	s0 =	simm.s32 @!p2 $0x0  }
0x16: {  	s3 =	sld [smem:$0x3FDB];
	s0 =	simm.s32 @p2 $0x1  }
0x17: {  	s4 =	simm.s32 $0x1BF5;
	[smem:$0x3FAA] =	sst s0  }
0x18: {  	s0 =	sld [smem:$0x3F8D];
	_ =	swait.ge [sflag:s4], $0x0  }
0x19: {  	s7 =	sld [smem:$0x3F8E]  }
0x1a: {  	s8 =	sadd.s32 $0xFFFFE003, lr  }
0x1b: {  	s9 =	sadd.s32 $0xFFFFFEF7, lr;
	s5 =	simm.s32 $0xFFFFFFFF;
	p2 =	slt.u32 s8, $0xFFFFF086  }
0x1c: {  	p1 =	slt.u32 s9, $0xF7A;
	s5 =	simm.s32 @!p2 $0x0  }
0x1d: {  	s5 =	simm.s32 @p1 $0x1;
	p0 =	seq.s32 s7, s2  }
0x1e: {  	s7 =	smul.u32 @!p0 $0xF7A, s2;
	p2 =	seq.s32 @!p0 s5, $0x0  }
0x1f: {  	s9 =	smul.u32 $0xF7A, s1;
	s8 =	simm.s32 @!p0 $0x1BF5;
	p2 =	por !p2, p0  }
0x20: {  	[sflag:s8] =	ssyncset.s32 @!p0 $0xFFFFF086;
	s6 =	sadd.s32 @!p0 s3, s7;
	s7 =	simm.s32 @!p0 $0x108  }
0x21: {  	s3 =	sadd.s32 s3, s9;
	s6 =	sadd.s32 @!p0 $0x88, s6;
	s7 =	simm.s32 @p2 $0x1082  }
0x22: {  	[simem:s7], [sflag:s8] =	dma.local @!p0 [hbm:s6], $0xF7A  }
0x23: {  	s9 =	sor.u32 $0xD0000000, s2;
	s6 =	simm.s32 $0x108;
	_ =	swait.ge @!p0 [sflag:s8], $0x0  }
0x24: {  	s3 =	sadd.s32 $0x88, s3;
	s6 =	simm.s32 @!p1 $0x1082;
	[sflag:s4] =	ssyncset.s32 $0xFFFFF086  }
0x25: {  	[simem:s6], [sflag:s4] =	dma.local [hbm:s3], $0xF7A  }
0x26: {  	[smem:$0x3F8E] =	sst s1;
	(tag) =	ssettag s2;
	_ =	strace s9  }
0x27: {  	s1 =	sld [smem:$0x3F9E]  }
0x28: {  	s2 =	sld [smem:$0x3F9F]  }
0x29: {  	s4 =	sld [smem:$0x3FA1]  }
0x2a: {  	p0 =	seq.s32 s5, $0x0;
	s5 =	sld [smem:$0x3FA2]  }
0x2b: {  	s6 =	sld [smem:$0x3FA3]  }
0x2c: {  	s7 =	sld [smem:$0x3FA4]  }
0x2d: {  	s3 =	simm.s32 $0x108;
	s8 =	sld [smem:$0x3FA5]  }
0x2e: {  	s3 =	simm.s32 @!p0 $0x1082;
	s9 =	sld [smem:$0x3FA6]  }
0x2f: {  	lr =	sadd.s32 s0, s3;
	s0 =	sld [smem:$0x3F9D]  }
0x30: {  	s3 =	sld [smem:$0x3FA0]  }
0x31: {  	[smem:$0x3FA9] =	sst s10  }
0x32: {  	s10 =	sld [smem:$0x3FA7];
	_ =	sdelay $0x3  }
0x33: {  	p0 =	seq.s32 s10, $0x1;
	s10 =	sld [smem:$0x3FA9];
	_ =	sdelay $0x3  }
0x34: {  	[smem:$0x3FA9] =	sst s10  }
0x35: {  	s10 =	sld [smem:$0x3FA8];
	_ =	sdelay $0x3  }
0x36: {  	p1 =	seq.s32 s10, $0x1;
	s10 =	sld [smem:$0x3FA9];
	_ =	sdelay $0x3  }
0x37: {  	[smem:$0x3FA9] =	sst s10  }
0x38: {  	s10 =	sld [smem:$0x3FAA]  }
0x39: {  	_ = 	snop;
	(pc) =	sbr.ind lr, $3  }
0x3a: {  	_ = 	snop  }
0x3b: {  	_ = 	snop  }
0x3c: {  	p2 =	seq.s32 s10, $0x1;
	s10 =	sld [smem:$0x3FA9]  }
0x3d: {  	_ =	shalt  }
0x3e: {  	_ =	shalt  }
0x3f: {  	_ =	shalt  }
0x40: {  	_ =	shalt  }
0x41: {  	_ =	shalt  }
0x42: {  	_ =	shalt  }
0x43: {  	_ =	shalt  }
0x44: {  	_ =	shalt  }
0x45: {  	_ =	shalt  }
0x46: {  	_ =	shalt  }
0x47: {  	_ =	shalt  }
0x48: {  	_ =	shalt  }
0x49: {  	_ =	shalt  }
0x4a: {  	_ =	shalt  }
0x4b: {  	_ =	shalt  }
0x4c: {  	_ =	shalt  }
0x4d: {  	_ =	shalt  }
0x4e: {  	_ =	shalt  }
0x4f: {  	_ =	shalt  }
0x50: {  	_ =	shalt  }
0x51: {  	_ =	shalt  }
0x52: {  	_ =	shalt  }
0x53: {  	_ =	shalt  }
0x54: {  	_ =	shalt  }
0x55: {  	_ =	shalt  }
0x56: {  	_ =	shalt  }
0x57: {  	_ =	shalt  }
0x58: {  	_ =	shalt  }
0x59: {  	_ =	shalt  }
0x5a: {  	_ =	shalt  }
0x5b: {  	_ =	shalt  }
0x5c: {  	_ =	shalt  }
0x5d: {  	_ =	shalt  }
0x5e: {  	_ =	shalt  }
0x5f: {  	_ =	shalt  }
0x60: {  	_ =	shalt  }
0x61: {  	_ =	shalt  }
0x62: {  	_ =	shalt  }
0x63: {  	_ =	shalt  }
0x64: {  	_ =	shalt  }
0x65: {  	_ =	shalt  }
0x66: {  	_ =	shalt  }
0x67: {  	_ =	shalt  }
0x68: {  	_ =	shalt  }
0x69: {  	_ =	shalt  }
0x6a: {  	_ =	shalt  }
0x6b: {  	_ =	shalt  }
0x6c: {  	_ =	shalt  }
0x6d: {  	_ =	shalt  }
0x6e: {  	_ =	shalt  }
0x6f: {  	_ =	shalt  }
0x70: {  	_ =	shalt  }
0x71: {  	_ =	shalt  }
0x72: {  	_ =	shalt  }
0x73: {  	_ =	shalt  }
0x74: {  	_ =	shalt  }
0x75: {  	_ =	shalt  }
0x76: {  	_ =	shalt  }
0x77: {  	_ =	shalt  }
0x78: {  	_ =	shalt  }
0x79: {  	_ =	shalt  }
0x7a: {  	_ =	shalt  }
0x7b: {  	_ =	shalt  }
0x7c: {  	_ =	shalt  }
0x7d: {  	_ =	shalt  }
0x7e: {  	_ =	shalt  }
0x7f: {  	_ =	shalt  }
0x80: {  	_ =	shalt  }
0x81: {  	_ =	shalt  }
0x82: {  	_ =	shalt  }
0x83: {  	_ =	shalt  }
0x84: {  	_ =	shalt  }
0x85: {  	_ =	shalt  }
0x86: {  	_ =	shalt  }
0x87: {  	_ =	shalt  }
.Lfunc_end0:
.L_simem_size_0:
called_computation.1_lowered:
.L_overlay_start_0:
0x88: {  	s2 =	sld [smem:$0x3FD9]  }
0x89: {  	s3 =	sld [smem:$0x3FFE];
	_ =	sdelay $0x1  }
0x8a: {  	s1 =	srdreg.scid  }
0x8b: {  	s0 =	sand.u32 $0x1, s1  }
0x8c: {  	s16 =	sshll.u32 s0, $0xA;
	s2 =	sadd.s32 s3, s2  }
0x8d: {  	s2 =	sadd.s32 s2, s16  }
0x8e: {  	[smem:$0x3FB5] =	sst s2  }
0x8f: {  	_ = 	snop  }
0x90: {  	(tm) =	ssettm $0x1  }
0x91: {  	s17 =	sld [smem:$0x3FFB];
	_ =	sdelay $0x3  }
0x92: {  	_ =	strace s17  }
0x93: {  	s2 =	sld [smem:$0x3FFC];
	_ =	sdelay $0x3  }
0x94: {  	_ =	strace s2  }
0x95: {  	s2 =	sld [smem:$0x3FFD];
	_ =	sdelay $0x3  }
0x96: {  	_ =	strace s2  }
0x97: {  	_ =	strace $0x8FFFFFFF  }
0x98: {  	s18 =	sld [smem:$0x3FDB];
	_ =	sdelay $0x1  }
0x99: {  	s19 =	simm.s32 $_scs_section_size  }
0x9a: {  	s4 =	simm.s32 $_size__tile_overlayer_lowered;
	s5 =	simm.s32 $_tile_overlayer_lowered  }
0x9b: {  	s22 =	simm.s32 $0x1BFF;
	s21 =	sshll.u32 s5, $0x1;
	s2 =	sadd.s32 s19, s18  }
0x9c: {  	s6 =	simm.s32 $0x0;
	s20 =	sshll.u32 s4, $0x1;
	s4 =	sadd.s32 s21, s2  }
0x9d: {  	[timem:s6], [sflag:s22] =	dma.local [hbm:s4], s20  }
0x9e: {  	_ =	swait.ge [sflag:s22], s20  }
0x9f: {  	s3 =	ssub.s32 $0x0, s20;
	[sflag:s22] =	ssyncset.done $0x0  }
0xa0: {  	[sflag:s22] =	ssyncadd.s32 s3;
	_ =	sdelay $0x1  }
0xa1: {  	s23 =	simm.s32 $0x1B8B  }
0xa2: {  	_ =	swait.ge [sflag:s23], $0x1  }
0xa3: {  	[sflag:s23] =	ssyncset.done $0x0  }
0xa4: {  	s25 =	simm.s32 $0x1B8E;
	s24 =	sld [smem:$0x3FFE];
	[sflag:s23] =	ssyncadd.s32 $0xFFFFFFFF  }
0xa5: {  	s26 =	simm.s32 $execute0_lowered;
	[smem:$0x3FD2] =	sst s25  }
0xa6: {  	s4 =	sshll.u32 s26, $0x1;
	_ =	strace $0x80000049;
	[dreg:$0x1] =	wrdreg $0xFFFFFFFF  }
0xa7: {  	s28 =	simm.s32 $_size_execute0_lowered;
	s2 =	sadd.s32 s2, s4;
	[dreg:$0x0] =	wrdreg $0x0  }
0xa8: {  	s4 =	sshll.u32 s28, $0x1;
	[dreg:$0x2] =	wrdreg s2  }
0xa9: {  	[dreg:$0x3] =	wrdreg s4  }
0xaa: {  	[dreg:$0x4] =	wrdreg $0xC0  }
0xab: {  	_ =	task [dreg:s6], $0x5FFFF  }
0xac: {  	[dreg:$0x1] =	wrdreg $0xFFFFFFFF  }
0xad: {  	[dreg:$0x0] =	wrdreg $0x60  }
0xae: {  	[dreg:$0x2] =	wrdreg s24  }
0xaf: {  	[dreg:$0x3] =	wrdreg $0x9  }
0xb0: {  	_ =	task.clear_ibuf [dreg:s6], $0x4FFFF;
	_ =	strace $0x90000049  }
0xb1: {  	s29 =	simm.s32 $0x9;
	_ =	strace $0x8000004B  }
0xb2: {  	_ =	swait.ge [sflag:s29], $0x1  }
0xb3: {  	[sflag:s29] =	ssyncadd.s32 $0xFFFFFFFF  }
0xb4: {  	_ =	strace $0x9000004B  }
0xb5: {  	_ =	sfence  }
0xb6: {  	s30 =	sld [smem:$0x0];
	_ =	sdelay $0x2  }
0xb7: {  	s31 =	sshll.u32 s1, $0xD;
	s1 =	sshrl.u32 s1, $0x2  }
0xb8: {  	s3 =	sand.u32 $0x4000, s31;
	s1 =	sadd.s32 s1, s30  }
0xb9: {  	s0 =	sor.u32 s3, s0;
	s1 =	sshll.u32 s1, $0x11  }
0xba: {  	s0 =	sor.u32 s1, s0  }
0xbb: {  	s0 =	sadd.s32 $0x8F2B, s0  }
0xbc: {  	[sflag:s0] =	ssyncadd.remote.s32 $0x1  }
0xbd: {  	_ =	sfence.sel $0xFFFF  }
0xbe: {  	[dreg:$0x0] =	wrdreg $0xFFFFFFFF;
	(pc) =	sbr.abs _section_cstart, $3  }
0xbf: {  	[dreg:$0x1] =	wrdreg $0xFFFFFFFF  }
0xc0: {  	_ =	task.clear_ibuf [dreg:s6], $0x2FFFF;
	_ =	strace $0x9FFFFFFF  }
0xc1: {  	(tm) =	ssettm $0x7FFFFFFF  }
tec
execute0_lowered:
.L_overlay_start_1:
0x0: {  	(tag) =	ssettag $0x1  }
0x1: {  	s0 =	rddreg [dreg:$0x0]  }
0x2: {  	s1 =	simm.s32 $0x0;
	s2 =	srdreg.scid;
	s5 =	stileid.u32  }
0x3: {  	s10 =	simm.s32 $0x2;
	s11 =	simm.s32 $0x80;
	s16 =	simm.s32 $0x2880  }
0x4: {  	s17 =	simm.s32 $0x3080;
	s18 =	simm.s32 $0x3880;
	s19 =	simm.s32 $0x4080  }
0x5: {  	s20 =	simm.s32 $0x4880;
	s21 =	simm.s32 $0x5080;
	s22 =	simm.s32 $0x5880  }
0x6: {  	s23 =	simm.s32 $0x6080;
	s24 =	simm.s32 $0x6880;
	s25 =	simm.s32 $0x7080  }
0x7: {  	s28 =	simm.s32 $0x8080;
	s29 =	simm.s32 $0x8880;
	s30 =	simm.s32 $0x9080  }
0x8: {  	s31 =	simm.s32 $0x9880;
	s12 =	simm.s32 $0xB880;
	s13 =	simm.s32 $0x1  }
0x9: {  	s15 =	simm.s32 $0x0;
	[smem:$0x7FF] =	sst s1;
	s2 =	sand.u32 $0x1, s2  }
0xa: {  	s3 =	sadd.s32 $0x159800, s0;
	s4 =	sadd.s32 $0x39600, s0;
	s6 =	ssub.s32 $0x2, s2  }
0xb: {  	s8 =	sshll.u32 s5, $0x5;
	s5 =	sadd.s32 $0x39800, s0;
	s7 =	sshrl.u32 s6, $0x1  }
0xc: {  	_ =	strace $0x8000004A;
	s2 =	sshll.u32 s2, $0x4;
	s9 =	ssub.s32 s6, s7  }
0xd: {  	v2 =	vlaneseq.u32;
	s6 =	sor.u32 s2, s8;
	s7 =	sadd.s32 $0x159900, s0;
	s8 =	sadd.s32 $0x159A00, s0  }
0xe: {  	vm0 =	vmmov $0xffff;
	v1 =	vshrl.u32 v2, $0x3;
	s0 =	simm.s32 $0xA080;
	s2 =	simm.s32 $0xA880;
	s26 =	smax.u32 s9, $0x1  }
0xf: {  	v0 =	vand.u32 $0x7, v2;
	v2 =	vor.u32 $0x8, v2;
	v1 =	vmul.u32 $0x8, v1;
	s9 =	simm.s32 $0xB080;
	[dreg:$0x2] =	wrdreg s26;
	s26 =	simm.s32 $0x7880  }
.LBB2_1:
0x10: {  	[dreg:$0x3] =	wrdreg s15;
	p0 =	por $0x1, $0x1;
	s14 =	simm.s32 $0x0  }
.LBB2_2:
0x11: {  	s14 =	sor.u32 s6, s14  }
0x12: {  	s15 =	sadd.s32 s4, s14  }
0x13: {  	[tilespmem:s1], [sflag:$0x2] =	stream.linear.gather [hbm4b:s15+s1], $0x40, $0x38;
	[tilespmem:$0xC080] =	vst v63  }
0x14: {  	_ =	swait.ge [sflag:s10], $0x40  }
0x15: {  	[sflag:s10] =	ssyncset.done $0x0  }
0x16: {  	[sflag:s10] =	ssyncadd.s32 $0xFFFFFFC0  }
0x17: {  	v3 =	vld [tilespmem:$0x0];
	_ =	sdelay $0x4  }
0x18: {  	v4 =	vshrl.u32 v3, $0x3  }
0x19: {  	v4 =	vmul.u32 $0x30, v4  }
0x1a: {  	v3 =	vand.u32 $0x7, v3  }
0x1b: {  	v3 =	vor.u32 v3, v4  }
0x1c: {  	v4 =	vperm.xlane v3, v0;
	_ =	sdelay $0x1  }
0x1d: {  	v4 =	vadd.s32 v1, v4;
	_ =	sdelay $0x3  }
0x1e: {  	v3 =	vperm.xlane v3, v2  }
0x1f: {  	[tilespmem:s11], [sflag:$0x1] =	stream.indirect_vreg.gather [hbm4b:s3+s1], $0x80, v4, vm0, $0xb8;
	[tilespmem:$0xC080] =	vst v63  }
0x20: {  	s15 =	simm.s32 $0x880;
	v3 =	vadd.s32 v1, v3  }
0x21: {  	[tilespmem:s15], [sflag:$0x1] =	stream.indirect_vreg.gather [hbm4b:s7+s1], $0x80, v4, vm0, $0xb8;
	[tilespmem:$0xC080] =	vst v63  }
0x22: {  	s15 =	simm.s32 $0x1080  }
0x23: {  	[tilespmem:s15], [sflag:$0x1] =	stream.indirect_vreg.gather [hbm4b:s8+s1], $0x80, v4, vm0, $0xb8;
	[tilespmem:$0xC080] =	vst v63  }
0x24: {  	s15 =	simm.s32 $0x1880  }
0x25: {  	[tilespmem:s15], [sflag:$0x1] =	stream.indirect_vreg.gather [hbm4b:s3+s1], $0x80, v3, vm0, $0xb8;
	[tilespmem:$0xC080] =	vst v63  }
0x26: {  	s15 =	simm.s32 $0x2080  }
0x27: {  	[tilespmem:s15], [sflag:$0x1] =	stream.indirect_vreg.gather [hbm4b:s7+s1], $0x80, v3, vm0, $0xb8;
	[tilespmem:$0xC080] =	vst v63  }
0x28: {  	_ = 	snop  }
0x29: {  	[tilespmem:s16], [sflag:$0x1] =	stream.indirect_vreg.gather [hbm4b:s8+s1], $0x80, v3, vm0, $0xb8;
	[tilespmem:$0xC080] =	vst v63  }
0x2a: {  	v3 =	vld [tilespmem:$0x10];
	_ =	sdelay $0x4  }
0x2b: {  	v61 =	vshrl.u32 v3, $0x3  }
0x2c: {  	v4 =	vmul.u32 $0x30, v61  }
0x2d: {  	v3 =	vand.u32 $0x7, v3  }
0x2e: {  	v3 =	vor.u32 v3, v4  }
0x2f: {  	v4 =	vperm.xlane v3, v0;
	_ =	sdelay $0x1  }
0x30: {  	v4 =	vadd.s32 v1, v4;
	_ =	sdelay $0x3  }
0x31: {  	v3 =	vperm.xlane v3, v2  }
0x32: {  	[tilespmem:s17], [sflag:$0x1] =	stream.indirect_vreg.gather [hbm4b:s3+s1], $0x80, v4, vm0, $0xb8;
	[tilespmem:$0xC080] =	vst v63  }
0x33: {  	v3 =	vadd.s32 v1, v3  }
0x34: {  	[tilespmem:s18], [sflag:$0x1] =	stream.indirect_vreg.gather [hbm4b:s7+s1], $0x80, v4, vm0, $0xb8;
	[tilespmem:$0xC080] =	vst v63  }
0x35: {  	_ = 	snop  }
0x36: {  	[tilespmem:s19], [sflag:$0x1] =	stream.indirect_vreg.gather [hbm4b:s8+s1], $0x80, v4, vm0, $0xb8;
	[tilespmem:$0xC080] =	vst v63  }
0x37: {  	_ = 	snop  }
0x38: {  	[tilespmem:s20], [sflag:$0x1] =	stream.indirect_vreg.gather [hbm4b:s3+s1], $0x80, v3, vm0, $0xb8;
	[tilespmem:$0xC080] =	vst v63  }
0x39: {  	_ = 	snop  }
0x3a: {  	[tilespmem:s21], [sflag:$0x1] =	stream.indirect_vreg.gather [hbm4b:s7+s1], $0x80, v3, vm0, $0xb8;
	[tilespmem:$0xC080] =	vst v63  }
0x3b: {  	_ = 	snop  }
0x3c: {  	[tilespmem:s22], [sflag:$0x1] =	stream.indirect_vreg.gather [hbm4b:s8+s1], $0x80, v3, vm0, $0xb8;
	[tilespmem:$0xC080] =	vst v63  }
0x3d: {  	v3 =	vld [tilespmem:$0x20];
	_ =	sdelay $0x4  }
0x3e: {  	v62 =	vshrl.u32 v3, $0x3  }
0x3f: {  	v4 =	vmul.u32 $0x30, v62  }
0x40: {  	v3 =	vand.u32 $0x7, v3  }
0x41: {  	v3 =	vor.u32 v3, v4  }
0x42: {  	v4 =	vperm.xlane v3, v0;
	_ =	sdelay $0x1  }
0x43: {  	v4 =	vadd.s32 v1, v4;
	_ =	sdelay $0x3  }
0x44: {  	v3 =	vperm.xlane v3, v2  }
0x45: {  	[tilespmem:s23], [sflag:$0x1] =	stream.indirect_vreg.gather [hbm4b:s3+s1], $0x80, v4, vm0, $0xb8;
	[tilespmem:$0xC080] =	vst v63  }
0x46: {  	v3 =	vadd.s32 v1, v3  }
0x47: {  	[tilespmem:s24], [sflag:$0x1] =	stream.indirect_vreg.gather [hbm4b:s7+s1], $0x80, v4, vm0, $0xb8;
	[tilespmem:$0xC080] =	vst v63  }
0x48: {  	_ = 	snop  }
0x49: {  	[tilespmem:s25], [sflag:$0x1] =	stream.indirect_vreg.gather [hbm4b:s8+s1], $0x80, v4, vm0, $0xb8;
	[tilespmem:$0xC080] =	vst v63  }
0x4a: {  	_ = 	snop  }
0x4b: {  	[tilespmem:s26], [sflag:$0x1] =	stream.indirect_vreg.gather [hbm4b:s3+s1], $0x80, v3, vm0, $0xb8;
	[tilespmem:$0xC080] =	vst v63  }
0x4c: {  	_ = 	snop  }
0x4d: {  	[tilespmem:s28], [sflag:$0x1] =	stream.indirect_vreg.gather [hbm4b:s7+s1], $0x80, v3, vm0, $0xb8;
	[tilespmem:$0xC080] =	vst v63  }
0x4e: {  	_ = 	snop  }
0x4f: {  	[tilespmem:s29], [sflag:$0x1] =	stream.indirect_vreg.gather [hbm4b:s8+s1], $0x80, v3, vm0, $0xb8;
	[tilespmem:$0xC080] =	vst v63  }
0x50: {  	v3 =	vld [tilespmem:$0x30];
	_ =	sdelay $0x4  }
0x51: {  	v63 =	vshrl.u32 v3, $0x3  }
0x52: {  	v4 =	vmul.u32 $0x30, v63  }
0x53: {  	v3 =	vand.u32 $0x7, v3  }
0x54: {  	v3 =	vor.u32 v3, v4  }
0x55: {  	v4 =	vperm.xlane v3, v0;
	_ =	sdelay $0x1  }
0x56: {  	v4 =	vadd.s32 v1, v4;
	_ =	sdelay $0x3  }
0x57: {  	v3 =	vperm.xlane v3, v2  }
0x58: {  	[tilespmem:s30], [sflag:$0x1] =	stream.indirect_vreg.gather [hbm4b:s3+s1], $0x80, v4, vm0, $0xb8;
	[tilespmem:$0xC080] =	vst v63  }
0x59: {  	v3 =	vadd.s32 v1, v3  }
0x5a: {  	[tilespmem:s31], [sflag:$0x1] =	stream.indirect_vreg.gather [hbm4b:s7+s1], $0x80, v4, vm0, $0xb8;
	[tilespmem:$0xC080] =	vst v63  }
0x5b: {  	_ = 	snop  }
0x5c: {  	[tilespmem:s0], [sflag:$0x1] =	stream.indirect_vreg.gather [hbm4b:s8+s1], $0x80, v4, vm0, $0xb8;
	[tilespmem:$0xC080] =	vst v63  }
0x5d: {  	_ = 	snop  }
0x5e: {  	[tilespmem:s2], [sflag:$0x1] =	stream.indirect_vreg.gather [hbm4b:s3+s1], $0x80, v3, vm0, $0xb8;
	[tilespmem:$0xC080] =	vst v63  }
0x5f: {  	_ = 	snop  }
0x60: {  	[tilespmem:s9], [sflag:$0x1] =	stream.indirect_vreg.gather [hbm4b:s7+s1], $0x80, v3, vm0, $0xb8;
	[tilespmem:$0xC080] =	vst v63  }
0x61: {  	_ = 	snop  }
0x62: {  	[tilespmem:s12], [sflag:$0x1] =	stream.indirect_vreg.gather [hbm4b:s8+s1], $0x80, v3, vm0, $0xb8;
	[tilespmem:$0xC080] =	vst v63  }
0x63: {  	s14 =	smul.u32 $0x300, s14;
	_ =	swait.ge [sflag:s13], $0xC000  }
0x64: {  	p1 =	por p0, p0;
	[sflag:s13] =	ssyncset.done $0x0  }
.Ltmp0:
0x65: {  	s14 =	sadd.s32 s5, s14;
	[sflag:s13] =	ssyncadd.s32 $0xFFFF4000;
	(pc) =	sbr.rel @p1 .LBB2_2-.Ltmp0, $4  }
0x66: {  	[hbm4b:s14+s1] =	stream.linear.scatter [tilespmem:s11], [sflag:$0x2], $0xC000, $0x38;
	[tilespmem:$0xC080] =	vst v63  }
0x67: {  	_ =	swait.ge [sflag:s10], $0xC000  }
0x68: {  	[sflag:s10] =	ssyncset.done $0x0  }
0x69: {  	p0 =	por $0x0, $0x0;
	s14 =	simm.s32 $0x8;
	[sflag:s10] =	ssyncadd.s32 $0xFFFF4000  }
0x6a: {  	s15 =	rddreg [dreg:$0x3]  }
0x6b: {  	s14 =	rddreg [dreg:$0x2];
	s15 =	sadd.s32 $0x1, s15  }
0x6c: {  	p0 =	sne.s32 s15, s14  }
.Ltmp1:
0x6d: {  	_ = 	snop;
	(pc) =	sbr.rel @p0 .LBB2_1-.Ltmp1, $1  }
0x6e: {  	_ =	sdelay $0x3  }
0x6f: {  	_ =	sfence.sel $0x180000  }
0x70: {  	[bflag:$0x0] =	sbarrier.arrive $0xFFFF  }
0x71: {  	_ =	strace $0x9000004A  }
0x72: {  	s0 =	stileid.u32;
	[bflag:$0x2] =	sbarrier.arrive $0xFFFF  }
0x73: {  	p0 =	sne.s32 s0, $0x0;
	s0 =	rddreg [dreg:$0x1]  }
0x74: {  	s0 =	sadd.s32 @!p0 $0x100000, s0  }
0x75: {  	[sflag:s0] =	ssyncadd.tile.s32 @!p0 $0x1;
	_ =	shalt  }
.Lfunc_end2:
_tile_overlayer_lowered:
.L_overlay_start_2:
0x76: {  	(tag) =	ssettag $0x2  }
0x77: {  	s0 =	rddreg [dreg:$0x0];
	s2 =	stileid.u32  }
0x78: {  	s1 =	rddreg [dreg:$0x1];
	p0 =	sne.s32 s2, $0x0  }
0x79: {  	s3 =	rddreg [dreg:$0x2];
	[bflag:$0x3] =	sbarrier.arrive $0xFFFF;
	s2 =	simm.s32 @!p0 $0x1C02  }
0x7a: {  	[timem:s3], [sflag:s2] =	dma.local @!p0 [hbm:s0], s1  }
0x7b: {  	s0 =	simm.s32 @!p0 $0x2  }
0x7c: {  	_ =	swait.ge @!p0 [sflag:s0], s1  }
0x7d: {  	s1 =	ssub.s32 @!p0 $0x0, s1;
	[sflag:s0] =	ssyncset.done @!p0 $0x0  }
0x7e: {  	[sflag:s0] =	ssyncadd.s32 @!p0 s1  }
0x7f: {  	[bflag:$0x3] =	sbarrier.arrive $0xFFFF  }
0x80: {  	_ =	shalt  }

// kernel: kernel.9.cloned.1.call-start
scs
__scs_entry_jumppad:
0x0: {  	(pc) =	sbr.rel $0x88, $3  }
0x1: {  	(tag) =	ssettag $0x0;
	lr =	simm.s32 $0x1  }
0x2: {  	[smem:$0x3F8E] =	sst lr;
	_ =	strace $0xD0000000  }
0x3: {  	_ = 	snop  }
0x4: {  	_ = 	snop  }
0x5: {  	_ = 	snop  }
0x6: {  	_ = 	snop  }
0x7: {  	_ = 	snop  }
__scs_overlays_trampoline_lowered:
0x8: {  	[smem:$0x3F9D] =	sst s0  }
0x9: {  	[smem:$0x3F9E] =	sst s1  }
0xa: {  	[smem:$0x3F9F] =	sst s2  }
0xb: {  	[smem:$0x3FA0] =	sst s3  }
0xc: {  	[smem:$0x3FA1] =	sst s4  }
0xd: {  	[smem:$0x3FA2] =	sst s5  }
0xe: {  	[smem:$0x3FA3] =	sst s6  }
0xf: {  	[smem:$0x3FA4] =	sst s7  }
0x10: {  	[smem:$0x3FA5] =	sst s8  }
0x11: {  	[smem:$0x3FA6] =	sst s9;
	s0 =	simm.s32 @!p0 $0x0  }
0x12: {  	s1 =	sld [smem:$0x3F8C];
	s0 =	simm.s32 @p0 $0x1  }
0x13: {  	[smem:$0x3FA7] =	sst s0;
	s0 =	simm.s32 @!p1 $0x0  }
0x14: {  	s2 =	sld [smem:$0x3F8B];
	s0 =	simm.s32 @p1 $0x1  }
0x15: {  	[smem:$0x3FA8] =	sst s0;
	s0 =	simm.s32 @!p2 $0x0  }
0x16: {  	s3 =	sld [smem:$0x3FDB];
	s0 =	simm.s32 @p2 $0x1  }
0x17: {  	s4 =	simm.s32 $0x1BF5;
	[smem:$0x3FAA] =	sst s0  }
0x18: {  	s0 =	sld [smem:$0x3F8D];
	_ =	swait.ge [sflag:s4], $0x0  }
0x19: {  	s7 =	sld [smem:$0x3F8E]  }
0x1a: {  	s8 =	sadd.s32 $0xFFFFE003, lr  }
0x1b: {  	s9 =	sadd.s32 $0xFFFFFEF7, lr;
	s5 =	simm.s32 $0xFFFFFFFF;
	p2 =	slt.u32 s8, $0xFFFFF086  }
0x1c: {  	p1 =	slt.u32 s9, $0xF7A;
	s5 =	simm.s32 @!p2 $0x0  }
0x1d: {  	s5 =	simm.s32 @p1 $0x1;
	p0 =	seq.s32 s7, s2  }
0x1e: {  	s7 =	smul.u32 @!p0 $0xF7A, s2;
	p2 =	seq.s32 @!p0 s5, $0x0  }
0x1f: {  	s9 =	smul.u32 $0xF7A, s1;
	s8 =	simm.s32 @!p0 $0x1BF5;
	p2 =	por !p2, p0  }
0x20: {  	[sflag:s8] =	ssyncset.s32 @!p0 $0xFFFFF086;
	s6 =	sadd.s32 @!p0 s3, s7;
	s7 =	simm.s32 @!p0 $0x108  }
0x21: {  	s3 =	sadd.s32 s3, s9;
	s6 =	sadd.s32 @!p0 $0x88, s6;
	s7 =	simm.s32 @p2 $0x1082  }
0x22: {  	[simem:s7], [sflag:s8] =	dma.local @!p0 [hbm:s6], $0xF7A  }
0x23: {  	s9 =	sor.u32 $0xD0000000, s2;
	s6 =	simm.s32 $0x108;
	_ =	swait.ge @!p0 [sflag:s8], $0x0  }
0x24: {  	s3 =	sadd.s32 $0x88, s3;
	s6 =	simm.s32 @!p1 $0x1082;
	[sflag:s4] =	ssyncset.s32 $0xFFFFF086  }
0x25: {  	[simem:s6], [sflag:s4] =	dma.local [hbm:s3], $0xF7A  }
0x26: {  	[smem:$0x3F8E] =	sst s1;
	(tag) =	ssettag s2;
	_ =	strace s9  }
0x27: {  	s1 =	sld [smem:$0x3F9E]  }
0x28: {  	s2 =	sld [smem:$0x3F9F]  }
0x29: {  	s4 =	sld [smem:$0x3FA1]  }
0x2a: {  	p0 =	seq.s32 s5, $0x0;
	s5 =	sld [smem:$0x3FA2]  }
0x2b: {  	s6 =	sld [smem:$0x3FA3]  }
0x2c: {  	s7 =	sld [smem:$0x3FA4]  }
0x2d: {  	s3 =	simm.s32 $0x108;
	s8 =	sld [smem:$0x3FA5]  }
0x2e: {  	s3 =	simm.s32 @!p0 $0x1082;
	s9 =	sld [smem:$0x3FA6]  }
0x2f: {  	lr =	sadd.s32 s0, s3;
	s0 =	sld [smem:$0x3F9D]  }
0x30: {  	s3 =	sld [smem:$0x3FA0]  }
0x31: {  	[smem:$0x3FA9] =	sst s10  }
0x32: {  	s10 =	sld [smem:$0x3FA7];
	_ =	sdelay $0x3  }
0x33: {  	p0 =	seq.s32 s10, $0x1;
	s10 =	sld [smem:$0x3FA9];
	_ =	sdelay $0x3  }
0x34: {  	[smem:$0x3FA9] =	sst s10  }
0x35: {  	s10 =	sld [smem:$0x3FA8];
	_ =	sdelay $0x3  }
0x36: {  	p1 =	seq.s32 s10, $0x1;
	s10 =	sld [smem:$0x3FA9];
	_ =	sdelay $0x3  }
0x37: {  	[smem:$0x3FA9] =	sst s10  }
0x38: {  	s10 =	sld [smem:$0x3FAA]  }
0x39: {  	_ = 	snop;
	(pc) =	sbr.ind lr, $3  }
0x3a: {  	_ = 	snop  }
0x3b: {  	_ = 	snop  }
0x3c: {  	p2 =	seq.s32 s10, $0x1;
	s10 =	sld [smem:$0x3FA9]  }
0x3d: {  	_ =	shalt  }
0x3e: {  	_ =	shalt  }
0x3f: {  	_ =	shalt  }
0x40: {  	_ =	shalt  }
0x41: {  	_ =	shalt  }
0x42: {  	_ =	shalt  }
0x43: {  	_ =	shalt  }
0x44: {  	_ =	shalt  }
0x45: {  	_ =	shalt  }
0x46: {  	_ =	shalt  }
0x47: {  	_ =	shalt  }
0x48: {  	_ =	shalt  }
0x49: {  	_ =	shalt  }
0x4a: {  	_ =	shalt  }
0x4b: {  	_ =	shalt  }
0x4c: {  	_ =	shalt  }
0x4d: {  	_ =	shalt  }
0x4e: {  	_ =	shalt  }
0x4f: {  	_ =	shalt  }
0x50: {  	_ =	shalt  }
0x51: {  	_ =	shalt  }
0x52: {  	_ =	shalt  }
0x53: {  	_ =	shalt  }
0x54: {  	_ =	shalt  }
0x55: {  	_ =	shalt  }
0x56: {  	_ =	shalt  }
0x57: {  	_ =	shalt  }
0x58: {  	_ =	shalt  }
0x59: {  	_ =	shalt  }
0x5a: {  	_ =	shalt  }
0x5b: {  	_ =	shalt  }
0x5c: {  	_ =	shalt  }
0x5d: {  	_ =	shalt  }
0x5e: {  	_ =	shalt  }
0x5f: {  	_ =	shalt  }
0x60: {  	_ =	shalt  }
0x61: {  	_ =	shalt  }
0x62: {  	_ =	shalt  }
0x63: {  	_ =	shalt  }
0x64: {  	_ =	shalt  }
0x65: {  	_ =	shalt  }
0x66: {  	_ =	shalt  }
0x67: {  	_ =	shalt  }
0x68: {  	_ =	shalt  }
0x69: {  	_ =	shalt  }
0x6a: {  	_ =	shalt  }
0x6b: {  	_ =	shalt  }
0x6c: {  	_ =	shalt  }
0x6d: {  	_ =	shalt  }
0x6e: {  	_ =	shalt  }
0x6f: {  	_ =	shalt  }
0x70: {  	_ =	shalt  }
0x71: {  	_ =	shalt  }
0x72: {  	_ =	shalt  }
0x73: {  	_ =	shalt  }
0x74: {  	_ =	shalt  }
0x75: {  	_ =	shalt  }
0x76: {  	_ =	shalt  }
0x77: {  	_ =	shalt  }
0x78: {  	_ =	shalt  }
0x79: {  	_ =	shalt  }
0x7a: {  	_ =	shalt  }
0x7b: {  	_ =	shalt  }
0x7c: {  	_ =	shalt  }
0x7d: {  	_ =	shalt  }
0x7e: {  	_ =	shalt  }
0x7f: {  	_ =	shalt  }
0x80: {  	_ =	shalt  }
0x81: {  	_ =	shalt  }
0x82: {  	_ =	shalt  }
0x83: {  	_ =	shalt  }
0x84: {  	_ =	shalt  }
0x85: {  	_ =	shalt  }
0x86: {  	_ =	shalt  }
0x87: {  	_ =	shalt  }
.Lfunc_end0:
.L_simem_size_0:
called_computation_lowered:
.L_overlay_start_0:
0x88: {  	s2 =	sld [smem:$0x3FD9]  }
0x89: {  	s3 =	sld [smem:$0x3FFE];
	_ =	sdelay $0x1  }
0x8a: {  	s1 =	srdreg.scid  }
0x8b: {  	s0 =	sand.u32 $0x1, s1  }
0x8c: {  	s16 =	sshll.u32 s0, $0xA;
	s2 =	sadd.s32 s3, s2  }
0x8d: {  	s2 =	sadd.s32 s2, s16  }
0x8e: {  	[smem:$0x3FB5] =	sst s2  }
0x8f: {  	_ = 	snop  }
0x90: {  	(tm) =	ssettm $0x1  }
0x91: {  	s17 =	sld [smem:$0x3FFB];
	_ =	sdelay $0x3  }
0x92: {  	_ =	strace s17  }
0x93: {  	s2 =	sld [smem:$0x3FFC];
	_ =	sdelay $0x3  }
0x94: {  	_ =	strace s2  }
0x95: {  	s2 =	sld [smem:$0x3FFD];
	_ =	sdelay $0x3  }
0x96: {  	_ =	strace s2  }
0x97: {  	_ =	strace $0x8FFFFFFF  }
0x98: {  	s18 =	sld [smem:$0x3FDB];
	_ =	sdelay $0x1  }
0x99: {  	s19 =	simm.s32 $_scs_section_size  }
0x9a: {  	s4 =	simm.s32 $_size__tile_overlayer_lowered;
	s5 =	simm.s32 $_tile_overlayer_lowered  }
0x9b: {  	s22 =	simm.s32 $0x1BFF;
	s21 =	sshll.u32 s5, $0x1;
	s2 =	sadd.s32 s19, s18  }
0x9c: {  	s6 =	simm.s32 $0x0;
	s20 =	sshll.u32 s4, $0x1;
	s4 =	sadd.s32 s21, s2  }
0x9d: {  	[timem:s6], [sflag:s22] =	dma.local [hbm:s4], s20  }
0x9e: {  	_ =	swait.ge [sflag:s22], s20  }
0x9f: {  	s3 =	ssub.s32 $0x0, s20;
	[sflag:s22] =	ssyncset.done $0x0  }
0xa0: {  	[sflag:s22] =	ssyncadd.s32 s3;
	_ =	sdelay $0x1  }
0xa1: {  	s23 =	simm.s32 $0x1B8B  }
0xa2: {  	_ =	swait.ge [sflag:s23], $0x1  }
0xa3: {  	[sflag:s23] =	ssyncset.done $0x0  }
0xa4: {  	s25 =	simm.s32 $0x1B8E;
	s24 =	sld [smem:$0x3FFE];
	[sflag:s23] =	ssyncadd.s32 $0xFFFFFFFF  }
0xa5: {  	s26 =	simm.s32 $execute0_lowered;
	[smem:$0x3FD2] =	sst s25  }
0xa6: {  	s4 =	sshll.u32 s26, $0x1;
	_ =	strace $0x80000046;
	[dreg:$0x1] =	wrdreg $0xFFFFFFFF  }
0xa7: {  	s28 =	simm.s32 $_size_execute0_lowered;
	s2 =	sadd.s32 s2, s4;
	[dreg:$0x0] =	wrdreg $0x0  }
0xa8: {  	s4 =	sshll.u32 s28, $0x1;
	[dreg:$0x2] =	wrdreg s2  }
0xa9: {  	[dreg:$0x3] =	wrdreg s4  }
0xaa: {  	[dreg:$0x4] =	wrdreg $0xC0  }
0xab: {  	_ =	task [dreg:s6], $0x5FFFF  }
0xac: {  	[dreg:$0x1] =	wrdreg $0xFFFFFFFF  }
0xad: {  	[dreg:$0x0] =	wrdreg $0x60  }
0xae: {  	[dreg:$0x2] =	wrdreg s24  }
0xaf: {  	[dreg:$0x3] =	wrdreg $0x9  }
0xb0: {  	_ =	task.clear_ibuf [dreg:s6], $0x4FFFF;
	_ =	strace $0x90000046  }
0xb1: {  	s29 =	simm.s32 $0x9;
	_ =	strace $0x80000048  }
0xb2: {  	_ =	swait.ge [sflag:s29], $0x1  }
0xb3: {  	[sflag:s29] =	ssyncadd.s32 $0xFFFFFFFF  }
0xb4: {  	_ =	strace $0x90000048  }
0xb5: {  	_ =	sfence  }
0xb6: {  	s30 =	sld [smem:$0x0];
	_ =	sdelay $0x2  }
0xb7: {  	s31 =	sshll.u32 s1, $0xD;
	s1 =	sshrl.u32 s1, $0x2  }
0xb8: {  	s3 =	sand.u32 $0x4000, s31;
	s1 =	sadd.s32 s1, s30  }
0xb9: {  	s0 =	sor.u32 s3, s0;
	s1 =	sshll.u32 s1, $0x11  }
0xba: {  	s0 =	sor.u32 s1, s0  }
0xbb: {  	s0 =	sadd.s32 $0x8F2B, s0  }
0xbc: {  	[sflag:s0] =	ssyncadd.remote.s32 $0x1  }
0xbd: {  	_ =	sfence.sel $0xFFFF  }
0xbe: {  	[dreg:$0x0] =	wrdreg $0xFFFFFFFF;
	(pc) =	sbr.abs _section_cstart, $3  }
0xbf: {  	[dreg:$0x1] =	wrdreg $0xFFFFFFFF  }
0xc0: {  	_ =	task.clear_ibuf [dreg:s6], $0x2FFFF;
	_ =	strace $0x9FFFFFFF  }
0xc1: {  	(tm) =	ssettm $0x7FFFFFFF  }
tec
execute0_lowered:
.L_overlay_start_1:
0x0: {  	(tag) =	ssettag $0x1  }
0x1: {  	s0 =	rddreg [dreg:$0x0]  }
0x2: {  	s1 =	simm.s32 $0x0;
	s2 =	srdreg.scid;
	s4 =	stileid.u32  }
0x3: {  	s11 =	simm.s32 $0x2;
	s12 =	simm.s32 $0x80;
	s18 =	simm.s32 $0x3080  }
0x4: {  	s19 =	simm.s32 $0x3880;
	s20 =	simm.s32 $0x4080;
	s21 =	simm.s32 $0x4880  }
0x5: {  	s22 =	simm.s32 $0x5080;
	s23 =	simm.s32 $0x5880;
	s24 =	simm.s32 $0x6080  }
0x6: {  	s28 =	simm.s32 $0x7880;
	s29 =	simm.s32 $0x8080;
	s30 =	simm.s32 $0x8880  }
0x7: {  	s31 =	simm.s32 $0x9080;
	s10 =	simm.s32 $0xA880;
	s13 =	simm.s32 $0xB080  }
0x8: {  	s14 =	simm.s32 $0xB880;
	s15 =	simm.s32 $0x1;
	s17 =	simm.s32 $0x0  }
0x9: {  	[smem:$0x7FF] =	sst s1;
	s3 =	sadd.s32 $0x1600, s0;
	s2 =	sand.u32 $0x1, s2  }
0xa: {  	s5 =	sshll.u32 s4, $0x8;
	s4 =	sadd.s32 $0x39600, s0;
	s6 =	sadd.s32 $0x39800, s0  }
0xb: {  	s9 =	sadd.s32 $0x39A00, s0;
	s7 =	ssub.s32 $0x2, s2;
	s2 =	sshll.u32 s2, $0x7  }
0xc: {  	_ =	strace $0x80000047;
	s8 =	sshrl.u32 s7, $0x1;
	s5 =	sor.u32 s2, s5  }
0xd: {  	v2 =	vlaneseq.u32;
	s2 =	simm.s32 $0xA080;
	s25 =	ssub.s32 s7, s8;
	s7 =	sand.u32 $0x780, s5  }
0xe: {  	vm0 =	vmmov $0xffff;
	v1 =	vshrl.u32 v2, $0x3;
	s8 =	sadd.s32 $0x39900, s0;
	s0 =	simm.s32 $0x9880;
	s26 =	smax.u32 s25, $0x1  }
0xf: {  	v0 =	vand.u32 $0x7, v2;
	v2 =	vor.u32 $0x8, v2;
	v1 =	vmul.u32 $0x8, v1;
	s25 =	simm.s32 $0x6880;
	[dreg:$0x2] =	wrdreg s26;
	s26 =	simm.s32 $0x7080  }
.LBB2_1:
0x10: {  	[dreg:$0x3] =	wrdreg s17;
	p0 =	por $0x1, $0x1;
	s16 =	simm.s32 $0x0  }
.LBB2_2:
0x11: {  	s17 =	sor.u32 s5, s16  }
0x12: {  	s16 =	sor.u32 s7, s16;
	s17 =	sshrl.u32 s17, $0x3  }
0x13: {  	s16 =	sshrl.u32 s16, $0x3;
	s17 =	sadd.s32 s4, s17  }
0x14: {  	[tilespmem:s1], [sflag:$0x2] =	stream.linear.gather [hbm4b:s17+s1], $0x40, $0x38;
	[tilespmem:$0xC080] =	vst v63  }
0x15: {  	s16 =	smul.u32 $0x300, s16;
	_ =	swait.ge [sflag:s11], $0x40  }
0x16: {  	[sflag:s11] =	ssyncset.done $0x0  }
0x17: {  	s16 =	sadd.s32 s3, s16;
	[sflag:s11] =	ssyncadd.s32 $0xFFFFFFC0  }
0x18: {  	[tilespmem:s12], [sflag:$0x2] =	stream.linear.gather [hbm4b:s16+s1], $0xC000, $0x38;
	[tilespmem:$0xC080] =	vst v63  }
0x19: {  	_ =	swait.ge [sflag:s11], $0xC000  }
0x1a: {  	[sflag:s11] =	ssyncset.done $0x0  }
0x1b: {  	[sflag:s11] =	ssyncadd.s32 $0xFFFF4000  }
0x1c: {  	v3 =	vld [tilespmem:$0x0];
	_ =	sdelay $0x4  }
0x1d: {  	v4 =	vshrl.u32 v3, $0x3  }
0x1e: {  	v4 =	vmul.u32 $0x30, v4  }
0x1f: {  	v3 =	vand.u32 $0x7, v3  }
0x20: {  	v3 =	vor.u32 v3, v4  }
0x21: {  	v4 =	vperm.xlane v3, v0;
	_ =	sdelay $0x1  }
0x22: {  	v4 =	vadd.s32 v1, v4;
	_ =	sdelay $0x3  }
0x23: {  	v3 =	vperm.xlane v3, v2  }
0x24: {  	[hbm4b:s6+s1] =	stream.indirect_vreg.scatter [tilespmem:s12], [sflag:$0x1], $0x80, v4, vm0, $0xb8;
	[tilespmem:$0xC080] =	vst v63  }
0x25: {  	s17 =	simm.s32 $0x880;
	v3 =	vadd.s32 v1, v3  }
0x26: {  	[hbm4b:s8+s1] =	stream.indirect_vreg.scatter [tilespmem:s17], [sflag:$0x1], $0x80, v4, vm0, $0xb8;
	[tilespmem:$0xC080] =	vst v63  }
0x27: {  	s16 =	simm.s32 $0x1080  }
0x28: {  	[hbm4b:s9+s1] =	stream.indirect_vreg.scatter [tilespmem:s16], [sflag:$0x1], $0x80, v4, vm0, $0xb8;
	[tilespmem:$0xC080] =	vst v63  }
0x29: {  	s17 =	simm.s32 $0x1880  }
0x2a: {  	[hbm4b:s6+s1] =	stream.indirect_vreg.scatter [tilespmem:s17], [sflag:$0x1], $0x80, v3, vm0, $0xb8;
	[tilespmem:$0xC080] =	vst v63  }
0x2b: {  	s16 =	simm.s32 $0x2080  }
0x2c: {  	[hbm4b:s8+s1] =	stream.indirect_vreg.scatter [tilespmem:s16], [sflag:$0x1], $0x80, v3, vm0, $0xb8;
	[tilespmem:$0xC080] =	vst v63  }
0x2d: {  	s17 =	simm.s32 $0x2880  }
0x2e: {  	[hbm4b:s9+s1] =	stream.indirect_vreg.scatter [tilespmem:s17], [sflag:$0x1], $0x80, v3, vm0, $0xb8;
	[tilespmem:$0xC080] =	vst v63  }
0x2f: {  	v3 =	vld [tilespmem:$0x10];
	_ =	sdelay $0x4  }
0x30: {  	v61 =	vshrl.u32 v3, $0x3  }
0x31: {  	v4 =	vmul.u32 $0x30, v61  }
0x32: {  	v3 =	vand.u32 $0x7, v3  }
0x33: {  	v3 =	vor.u32 v3, v4  }
0x34: {  	v4 =	vperm.xlane v3, v0;
	_ =	sdelay $0x1  }
0x35: {  	v4 =	vadd.s32 v1, v4;
	_ =	sdelay $0x3  }
0x36: {  	v3 =	vperm.xlane v3, v2  }
0x37: {  	[hbm4b:s6+s1] =	stream.indirect_vreg.scatter [tilespmem:s18], [sflag:$0x1], $0x80, v4, vm0, $0xb8;
	[tilespmem:$0xC080] =	vst v63  }
0x38: {  	v3 =	vadd.s32 v1, v3  }
0x39: {  	[hbm4b:s8+s1] =	stream.indirect_vreg.scatter [tilespmem:s19], [sflag:$0x1], $0x80, v4, vm0, $0xb8;
	[tilespmem:$0xC080] =	vst v63  }
0x3a: {  	_ = 	snop  }
0x3b: {  	[hbm4b:s9+s1] =	stream.indirect_vreg.scatter [tilespmem:s20], [sflag:$0x1], $0x80, v4, vm0, $0xb8;
	[tilespmem:$0xC080] =	vst v63  }
0x3c: {  	_ = 	snop  }
0x3d: {  	[hbm4b:s6+s1] =	stream.indirect_vreg.scatter [tilespmem:s21], [sflag:$0x1], $0x80, v3, vm0, $0xb8;
	[tilespmem:$0xC080] =	vst v63  }
0x3e: {  	_ = 	snop  }
0x3f: {  	[hbm4b:s8+s1] =	stream.indirect_vreg.scatter [tilespmem:s22], [sflag:$0x1], $0x80, v3, vm0, $0xb8;
	[tilespmem:$0xC080] =	vst v63  }
0x40: {  	_ = 	snop  }
0x41: {  	[hbm4b:s9+s1] =	stream.indirect_vreg.scatter [tilespmem:s23], [sflag:$0x1], $0x80, v3, vm0, $0xb8;
	[tilespmem:$0xC080] =	vst v63  }
0x42: {  	v3 =	vld [tilespmem:$0x20];
	_ =	sdelay $0x4  }
0x43: {  	v62 =	vshrl.u32 v3, $0x3  }
0x44: {  	v4 =	vmul.u32 $0x30, v62  }
0x45: {  	v3 =	vand.u32 $0x7, v3  }
0x46: {  	v3 =	vor.u32 v3, v4  }
0x47: {  	v4 =	vperm.xlane v3, v0;
	_ =	sdelay $0x1  }
0x48: {  	v4 =	vadd.s32 v1, v4;
	_ =	sdelay $0x3  }
0x49: {  	v3 =	vperm.xlane v3, v2  }
0x4a: {  	[hbm4b:s6+s1] =	stream.indirect_vreg.scatter [tilespmem:s24], [sflag:$0x1], $0x80, v4, vm0, $0xb8;
	[tilespmem:$0xC080] =	vst v63  }
0x4b: {  	v3 =	vadd.s32 v1, v3  }
0x4c: {  	[hbm4b:s8+s1] =	stream.indirect_vreg.scatter [tilespmem:s25], [sflag:$0x1], $0x80, v4, vm0, $0xb8;
	[tilespmem:$0xC080] =	vst v63  }
0x4d: {  	_ = 	snop  }
0x4e: {  	[hbm4b:s9+s1] =	stream.indirect_vreg.scatter [tilespmem:s26], [sflag:$0x1], $0x80, v4, vm0, $0xb8;
	[tilespmem:$0xC080] =	vst v63  }
0x4f: {  	_ = 	snop  }
0x50: {  	[hbm4b:s6+s1] =	stream.indirect_vreg.scatter [tilespmem:s28], [sflag:$0x1], $0x80, v3, vm0, $0xb8;
	[tilespmem:$0xC080] =	vst v63  }
0x51: {  	_ = 	snop  }
0x52: {  	[hbm4b:s8+s1] =	stream.indirect_vreg.scatter [tilespmem:s29], [sflag:$0x1], $0x80, v3, vm0, $0xb8;
	[tilespmem:$0xC080] =	vst v63  }
0x53: {  	_ = 	snop  }
0x54: {  	[hbm4b:s9+s1] =	stream.indirect_vreg.scatter [tilespmem:s30], [sflag:$0x1], $0x80, v3, vm0, $0xb8;
	[tilespmem:$0xC080] =	vst v63  }
0x55: {  	v3 =	vld [tilespmem:$0x30];
	_ =	sdelay $0x4  }
0x56: {  	v63 =	vshrl.u32 v3, $0x3  }
0x57: {  	v4 =	vmul.u32 $0x30, v63  }
0x58: {  	v3 =	vand.u32 $0x7, v3  }
0x59: {  	v3 =	vor.u32 v3, v4  }
0x5a: {  	v4 =	vperm.xlane v3, v0;
	_ =	sdelay $0x1  }
0x5b: {  	v4 =	vadd.s32 v1, v4;
	_ =	sdelay $0x3  }
0x5c: {  	v3 =	vperm.xlane v3, v2  }
0x5d: {  	[hbm4b:s6+s1] =	stream.indirect_vreg.scatter [tilespmem:s31], [sflag:$0x1], $0x80, v4, vm0, $0xb8;
	[tilespmem:$0xC080] =	vst v63  }
0x5e: {  	v3 =	vadd.s32 v1, v3  }
0x5f: {  	[hbm4b:s8+s1] =	stream.indirect_vreg.scatter [tilespmem:s0], [sflag:$0x1], $0x80, v4, vm0, $0xb8;
	[tilespmem:$0xC080] =	vst v63  }
0x60: {  	_ = 	snop  }
0x61: {  	[hbm4b:s9+s1] =	stream.indirect_vreg.scatter [tilespmem:s2], [sflag:$0x1], $0x80, v4, vm0, $0xb8;
	[tilespmem:$0xC080] =	vst v63  }
0x62: {  	_ = 	snop  }
0x63: {  	[hbm4b:s6+s1] =	stream.indirect_vreg.scatter [tilespmem:s10], [sflag:$0x1], $0x80, v3, vm0, $0xb8;
	[tilespmem:$0xC080] =	vst v63  }
0x64: {  	p1 =	por p0, p0  }
0x65: {  	[hbm4b:s8+s1] =	stream.indirect_vreg.scatter [tilespmem:s13], [sflag:$0x1], $0x80, v3, vm0, $0xb8;
	[tilespmem:$0xC080] =	vst v63  }
.Ltmp0:
0x66: {  	_ = 	snop;
	(pc) =	sbr.rel @p1 .LBB2_2-.Ltmp0, $4  }
0x67: {  	[hbm4b:s9+s1] =	stream.indirect_vreg.scatter [tilespmem:s14], [sflag:$0x1], $0x80, v3, vm0, $0xb8;
	[tilespmem:$0xC080] =	vst v63  }
0x68: {  	_ =	swait.ge [sflag:s15], $0xC000  }
0x69: {  	[sflag:s15] =	ssyncset.done $0x0  }
0x6a: {  	p0 =	por $0x0, $0x0;
	s16 =	simm.s32 $0x40;
	[sflag:s15] =	ssyncadd.s32 $0xFFFF4000  }
0x6b: {  	s17 =	rddreg [dreg:$0x3]  }
0x6c: {  	s16 =	rddreg [dreg:$0x2];
	s17 =	sadd.s32 $0x1, s17  }
0x6d: {  	p0 =	sne.s32 s17, s16  }
.Ltmp1:
0x6e: {  	_ = 	snop;
	(pc) =	sbr.rel @p0 .LBB2_1-.Ltmp1, $1  }
0x6f: {  	_ =	sdelay $0x3  }
0x70: {  	_ =	sfence.sel $0x180000  }
0x71: {  	[bflag:$0x0] =	sbarrier.arrive $0xFFFF  }
0x72: {  	_ =	strace $0x90000047  }
0x73: {  	s0 =	stileid.u32;
	[bflag:$0x2] =	sbarrier.arrive $0xFFFF  }
0x74: {  	p0 =	sne.s32 s0, $0x0;
	s0 =	rddreg [dreg:$0x1]  }
0x75: {  	s0 =	sadd.s32 @!p0 $0x100000, s0  }
0x76: {  	[sflag:s0] =	ssyncadd.tile.s32 @!p0 $0x1;
	_ =	shalt  }
.Lfunc_end2:
_tile_overlayer_lowered:
.L_overlay_start_2:
0x77: {  	(tag) =	ssettag $0x2  }
0x78: {  	s0 =	rddreg [dreg:$0x0];
	s2 =	stileid.u32  }
0x79: {  	s1 =	rddreg [dreg:$0x1];
	p0 =	sne.s32 s2, $0x0  }
0x7a: {  	s3 =	rddreg [dreg:$0x2];
	[bflag:$0x3] =	sbarrier.arrive $0xFFFF;
	s2 =	simm.s32 @!p0 $0x1C02  }
0x7b: {  	[timem:s3], [sflag:s2] =	dma.local @!p0 [hbm:s0], s1  }
0x7c: {  	s0 =	simm.s32 @!p0 $0x2  }
0x7d: {  	_ =	swait.ge @!p0 [sflag:s0], s1  }
0x7e: {  	s1 =	ssub.s32 @!p0 $0x0, s1;
	[sflag:s0] =	ssyncset.done @!p0 $0x0  }
0x7f: {  	[sflag:s0] =	ssyncadd.s32 @!p0 s1  }
0x80: {  	[bflag:$0x3] =	sbarrier.arrive $0xFFFF  }
0x81: {  	_ =	shalt  }

</sc_bundles>
